<compile_context>
chip_gen: v7x
topology: tpu7x:2x2x1
jax: 0.10.2.dev20260603
libtpu: 0.0.44.dev20260713+nightly
codegen_flags: <defaults>
</compile_context>

<pallas_src>
import functools

import jax
import jax.numpy as jnp
from jax import lax
from jax.experimental import pallas as pl
from jax.experimental.pallas import tpu as pltpu
from jax.experimental.pallas import tpu_sc as plsc

B, N, T, H, W = 16, 3000, 10, 200, 200
NUM = N // 3
LANES = 16
HALF = NUM // 2
PH = 512
NCH = PH // LANES
PT = PH * T
HW = H * W
BIG = 1 << 30

_mesh = plsc.VectorSubcoreMesh(core_axis_name="c", subcore_axis_name="s")


@functools.partial(
    pl.kernel,
    out_type=jax.ShapeDtypeStruct((B * 2 * LANES,), jnp.float32),
    mesh=_mesh,
    compiler_params=pltpu.CompilerParams(needs_layout_passes=False),
    scratch_types=[
        pltpu.VMEM((HALF * 3 * T,), jnp.float32),
        pltpu.VMEM((PT,), jnp.int32),
        pltpu.VMEM((PT,), jnp.int32),
        pltpu.VMEM((PT,), jnp.int32),
        pltpu.VMEM((PT,), jnp.float32),
        pltpu.VMEM((PT,), jnp.float32),
        pltpu.VMEM((PT,), jnp.float32),
        pltpu.VMEM((PT,), jnp.float32),
        pltpu.VMEM((PH,), jnp.float32),
        pltpu.VMEM((PH,), jnp.float32),
        pltpu.VMEM((PH,), jnp.float32),
        pltpu.VMEM((PH,), jnp.float32),
        pltpu.VMEM((B,), jnp.int32),
        pltpu.VMEM((2 * B,), jnp.float32),
        pltpu.VMEM((LANES,), jnp.float32),
        pltpu.SemaphoreType.DMA,
        pltpu.SemaphoreType.DMA,
        pltpu.SemaphoreType.DMA,
        pltpu.SemaphoreType.DMA,
    ],
)
def _plan_phase1(trajs_hbm, cost_hbm, sem_hbm, hd_hbm, cmd_hbm, tp_hbm,
                 rec_hbm,
                 traj_ref, idxt_ref, idxh_ref, idxd_ref,
                 vc_ref, vs_ref, vl_ref, vd_ref,
                 xe_ref, ye_ref, cs_ref, ss_ref,
                 cmd_ref, tp_ref, rec_ref,
                 sem_c, sem_s, sem_l, sem_d):
    cidx = lax.axis_index("c")
    sidx = lax.axis_index("s")
    b = cidx * (B // 2) + sidx // 2
    half = sidx % 2
    nbase = half * HALF
    lane = lax.iota(jnp.int32, LANES)

    pltpu.sync_copy(cmd_hbm, cmd_ref)
    pltpu.sync_copy(tp_hbm, tp_ref)
    bvec = jnp.full((LANES,), b, jnp.int32)
    cmd = plsc.load_gather(cmd_ref, [bvec])[0]
    toff = pl.multiple_of((b * N + cmd * NUM + nbase) * 3 * T, 8)
    pltpu.sync_copy(trajs_hbm.at[pl.ds(toff, HALF * 3 * T)], traj_ref)

    bofft = b * (T * HW)
    boffh = b * (2 * HW)

    def t_body(t, carry):
        tvec = jnp.full((LANES,), 3 * t, jnp.int32)

        def c_body(ci, carry2):
            r = jnp.minimum(ci * LANES + lane, HALF - 1)
            x = plsc.load_gather(traj_ref, [r * (3 * T) + tvec])
            y = plsc.load_gather(traj_ref, [r * (3 * T) + tvec + 1])
            xi = jnp.clip((x * W).astype(jnp.int32), 0, W - 1)
            yi = jnp.clip((y * H).astype(jnp.int32), 0, H - 1)
            flat = yi * W + xi
            pos = t * PH + ci * LANES
            idxt_ref[pl.ds(pos, LANES)] = bofft + t * HW + flat
            idxh_ref[pl.ds(pos, LANES)] = boffh + flat
            idxd_ref[pl.ds(pos, LANES)] = boffh + HW + flat

            @pl.when(t == T - 1)
            def _():
                xe_ref[pl.ds(ci * LANES, LANES)] = x
                ye_ref[pl.ds(ci * LANES, LANES)] = y

            return carry2

        return lax.fori_loop(0, NCH, c_body, carry)

    lax.fori_loop(0, T, t_body, 0)

    cp_c = pltpu.async_copy(cost_hbm.at[idxt_ref], vc_ref, sem_c)
    cp_s = pltpu.async_copy(sem_hbm.at[idxt_ref], vs_ref, sem_s)
    cp_l = pltpu.async_copy(hd_hbm.at[idxh_ref], vl_ref, sem_l)
    cp_d = pltpu.async_copy(hd_hbm.at[idxd_ref], vd_ref, sem_d)
    cp_c.wait()
    cp_s.wait()
    cp_l.wait()
    cp_d.wait()

    tpx = plsc.load_gather(tp_ref, [2 * bvec])[0]
    tpy = plsc.load_gather(tp_ref, [2 * bvec + 1])[0]

    def acc_body(ci, carry):
        pos0 = ci * LANES

        def t_acc(t, ac):
            a, ss = ac
            p = t * PH + pos0
            cv = vc_ref[pl.ds(p, LANES)]
            sv = vs_ref[pl.ds(p, LANES)]
            lv = vl_ref[pl.ds(p, LANES)]
            dv = vd_ref[pl.ds(p, LANES)]
            return (a + (cv + 5.0 * sv + 2.0 * lv - 3.0 * dv), ss + sv)

        zero = jnp.zeros((LANES,), jnp.float32)
        a, ss = lax.fori_loop(0, T, t_acc, (zero, zero))
        dx = xe_ref[pl.ds(pos0, LANES)] - tpx
        dy = ye_ref[pl.ds(pos0, LANES)] - tpy
        cs_ref[pl.ds(pos0, LANES)] = a + dx * dx + dy * dy
        ss_ref[pl.ds(pos0, LANES)] = ss
        return carry

    lax.fori_loop(0, NCH, acc_body, 0)

    def min_body(ci, m):
        v = cs_ref[pl.ds(ci * LANES, LANES)]
        return jnp.minimum(m, jnp.min(v))

    m = lax.fori_loop(0, NCH, min_body, jnp.float32(jnp.inf))

    def sel_body(ci, cur):
        v = cs_ref[pl.ds(ci * LANES, LANES)]
        gid = nbase + jnp.minimum(ci * LANES + lane, HALF - 1)
        cand = jnp.where(v == m, gid, jnp.int32(BIG))
        return jnp.minimum(cur, jnp.min(cand))

    sel = lax.fori_loop(0, NCH, sel_body, jnp.int32(BIG))

    def saf_body(ci, acc):
        sv = ss_ref[pl.ds(ci * LANES, LANES)]
        gid = nbase + ci * LANES + lane
        return acc + jnp.sum(jnp.where(gid == sel, sv, 0.0))

    safety = lax.fori_loop(0, NCH, saf_body, jnp.float32(0.0))

    rec = jnp.where(lane == 0, m, jnp.float32(0.0))
    rec = jnp.where(lane == 1, safety, rec)
    rec = jnp.where(lane == 2,
                    plsc.bitcast(jnp.full((LANES,), sel, jnp.int32),
                                 jnp.float32), rec)
    rec_ref[...] = rec
    pltpu.sync_copy(rec_ref, rec_hbm.at[pl.ds((b * 2 + half) * LANES, LANES)])


@functools.partial(
    pl.kernel,
    out_type=jax.ShapeDtypeStruct((B, 32), jnp.float32),
    mesh=_mesh,
    compiler_params=pltpu.CompilerParams(needs_layout_passes=False),
    scratch_types=[
        pltpu.VMEM((2 * LANES,), jnp.float32),
        pltpu.VMEM((B,), jnp.int32),
        pltpu.VMEM((40,), jnp.float32),
        pltpu.VMEM((32,), jnp.float32),
    ],
)
def _plan_phase2(trajs_hbm, cmd_hbm, rec_hbm, out_hbm,
                 rr_ref, cmd_ref, rfetch_ref, row_ref):
    cidx = lax.axis_index("c")
    sidx = lax.axis_index("s")

    @pl.when(cidx == 0)
    def _body():
        b = sidx
        lane = lax.iota(jnp.int32, LANES)

        pltpu.sync_copy(cmd_hbm, cmd_ref)
        pltpu.sync_copy(rec_hbm.at[pl.ds(b * 2 * LANES, 2 * LANES)], rr_ref)
        bvec = jnp.full((LANES,), b, jnp.int32)
        cmd = plsc.load_gather(cmd_ref, [bvec])[0]

        r0 = rr_ref[pl.ds(0, LANES)]
        r1 = rr_ref[pl.ds(LANES, LANES)]
        m0 = r0[0]
        m1 = r1[0]
        better = m1 < m0
        m2 = jnp.where(better, m1, m0)
        saf2 = jnp.where(better, r1[1], r0[1])
        sel2 = jnp.where(better,
                         plsc.bitcast(r1, jnp.int32)[2],
                         plsc.bitcast(r0, jnp.int32)[2])

        elem = (b * N + cmd * NUM + sel2) * (3 * T)
        start8 = pl.multiple_of((elem >> 3) << 3, 8)
        sh = elem - start8
        pltpu.sync_copy(trajs_hbm.at[pl.ds(start8, 40)], rfetch_ref)
        shv = jnp.full((LANES,), sh, jnp.int32)
        lo = plsc.load_gather(rfetch_ref, [shv + lane])
        hi = plsc.load_gather(
            rfetch_ref, [shv + jnp.minimum(lane + LANES, 3 * T - 1)])
        hi = jnp.where(lane == 3 * T - LANES, m2, hi)
        hi = jnp.where(lane == 3 * T + 1 - LANES, saf2, hi)
        row_ref[pl.ds(0, LANES)] = lo
        row_ref[pl.ds(LANES, LANES)] = hi
        pltpu.sync_copy(row_ref, out_hbm.at[b])


def kernel(cam_front, trajs, gt_trajs, cost_volume, semantic_pred, hd_map,
           commands, target_points, k):
    kf = jnp.asarray(k, jnp.float32).reshape(())
    trajs_flat = trajs.reshape(-1) * kf
    cost_flat = cost_volume.reshape(-1) * kf
    sem_flat = semantic_pred.reshape(-1) * kf
    hd_flat = hd_map.reshape(-1) * kf
    cmds = commands.astype(jnp.int32)
    tp_flat = target_points.reshape(-1)
    recs = _plan_phase1(trajs_flat, cost_flat, sem_flat, hd_flat,
                        cmds, tp_flat)
    return _plan_phase2(trajs_flat, cmds, recs)

# --- scband reference (transcript-rebuilt; emitter-appended) ---
"""Pipeline reference for scband-planning-63848983823225 (READ-ONLY COPY).

The authoritative reference and input builder live on the scoring server;
editing this copy changes nothing except your own understanding.
"""

import jax, jax.numpy as jnp
import numpy as np

B, N, T, H, W = 16, 3000, 10, 200, 200


def setup_inputs(seed: int = 0) -> dict:
    key = jax.random.key(seed)
    ks = jax.random.split(key, 9)
    return {
        "cam_front": jax.random.normal(ks[0], (B, 64, 60, 28), dtype=jnp.float32),
        "trajs": jax.random.uniform(ks[1], (B, N, T, 3), dtype=jnp.float32),
        "gt_trajs": jax.random.uniform(ks[2], (B, T, 3), dtype=jnp.float32),
        "cost_volume": jax.random.normal(ks[3], (B, T, H, W), dtype=jnp.float32),
        "semantic_pred": jax.random.uniform(ks[4], (B, T, H, W), dtype=jnp.float32),
        "hd_map": jax.random.uniform(ks[5], (B, 2, H, W), dtype=jnp.float32),
        "commands": jax.random.randint(ks[6], (B,), 0, 3),
        "target_points": jax.random.uniform(ks[7], (B, 2), dtype=jnp.float32),
        "k": 1,
    }


def _grid_idx(pts):
    # pts: (B, N, T, 2) in [0,1) -> integer grid indices
    xi = jnp.clip((pts[..., 0] * W).astype(jnp.int32), 0, W - 1)
    yi = jnp.clip((pts[..., 1] * H).astype(jnp.int32), 0, H - 1)
    return yi, xi


def _gather_temporal(vol, yi, xi):
    # vol: (B, T, H, W); yi/xi: (B, N, T) -> (B, N, T)
    b = jnp.arange(B)[:, None, None]
    t = jnp.arange(T)[None, None, :]
    return vol[b, t, yi, xi]


def _gather_static(m, yi, xi):
    # m: (B, H, W); yi/xi: (B, N, T) -> (B, N, T)
    b = jnp.arange(B)[:, None, None]
    return m[b, yi, xi]


def _forward(cam_front, trajs, gt_trajs, cost_volume, semantic_pred, hd_map, target_points, commands, k):
    num = N // 3
    # command-conditioned trajectory selection (LEFT=0, FORWARD=1, RIGHT=2)
    left = jnp.tile(trajs[:, :num], (1, 3, 1, 1))
    fwd = jnp.tile(trajs[:, num:2 * num], (1, 3, 1, 1))
    right = jnp.tile(trajs[:, 2 * num:], (1, 3, 1, 1))
    cmd = commands[:, None, None, None]
    cur_trajs = jnp.where(cmd == 0, left, jnp.where(cmd == 1, fwd, right))
    pts = cur_trajs[..., :2]  # (B, N, T, 2)
    yi, xi = _grid_idx(pts)
    # cost-function terms: sample BEV cost / semantic / lane / drivable maps along trajectories
    c_vol = _gather_temporal(cost_volume, yi, xi)          # (B, N, T)
    c_sem = _gather_temporal(semantic_pred, yi, xi)        # (B, N, T) safety cost
    lane = _gather_static(hd_map[:, 0], yi, xi)            # (B, N, T)
    driv = _gather_static(hd_map[:, 1], yi, xi)            # (B, N, T)
    sm_cost_fo = c_vol + 5.0 * c_sem + 2.0 * lane - 3.0 * driv  # (B, N, T)
    # progress cost: squared distance of final waypoint to target point
    sm_cost_fc = ((pts[:, :, -1, :] - target_points[:, None, :]) ** 2).sum(-1)  # (B, N)
    CS = sm_cost_fc + sm_cost_fo.sum(-1)                   # (B, N)
    # top-k smallest cost (largest=False)
    neg_cc, KK = jax.lax.top_k(-CS, 1)
    CC = -neg_cc                                           # (B, k)
    sel = KK[:, k - 1]                                     # k == 1
    bidx = jnp.arange(B)
    select_traj = cur_trajs[bidx, sel]                     # (B, T, 3)
    safety_sel = c_sem[bidx, sel].sum(-1)                  # (B,)
    out = jnp.concatenate([select_traj.reshape(B, -1), CC, safety_sel[:, None]], axis=1)
    return out


def reference(cam_front, trajs, gt_trajs, cost_volume, semantic_pred, hd_map, commands, target_points, k):
    return _forward(cam_front, trajs, gt_trajs, cost_volume, semantic_pred, hd_map, target_points, commands, k)

if __name__ == "__main__":
    import jax
    _d = setup_inputs()
    print(jax.jit(kernel)(*tuple(_d.values())))

</pallas_src>

<mosaic_0001>
#map = affine_map<(d0, d1) -> (0)>
module attributes {stable_mosaic.version = 14 : i64} {
  func.func @_plan_phase1(%arg0: i32, %arg1: i32, %arg2: memref<1440000xf32, #tpu.memory_space<hbm>>, %arg3: memref<6400000xf32, #tpu.memory_space<hbm>>, %arg4: memref<6400000xf32, #tpu.memory_space<hbm>>, %arg5: memref<1280000xf32, #tpu.memory_space<hbm>>, %arg6: memref<16xi32, #tpu.memory_space<hbm>>, %arg7: memref<32xf32, #tpu.memory_space<hbm>>, %arg8: memref<512xf32, #tpu.memory_space<hbm>>, %arg9: memref<15000xf32, #tpu.memory_space<vmem>>, %arg10: memref<5120xi32, #tpu.memory_space<vmem>>, %arg11: memref<5120xi32, #tpu.memory_space<vmem>>, %arg12: memref<5120xi32, #tpu.memory_space<vmem>>, %arg13: memref<5120xf32, #tpu.memory_space<vmem>>, %arg14: memref<5120xf32, #tpu.memory_space<vmem>>, %arg15: memref<5120xf32, #tpu.memory_space<vmem>>, %arg16: memref<5120xf32, #tpu.memory_space<vmem>>, %arg17: memref<512xf32, #tpu.memory_space<vmem>>, %arg18: memref<512xf32, #tpu.memory_space<vmem>>, %arg19: memref<512xf32, #tpu.memory_space<vmem>>, %arg20: memref<512xf32, #tpu.memory_space<vmem>>, %arg21: memref<16xi32, #tpu.memory_space<vmem>>, %arg22: memref<32xf32, #tpu.memory_space<vmem>>, %arg23: memref<16xf32, #tpu.memory_space<vmem>>, %arg24: memref<!tpu.dma_semaphore, #tpu.memory_space<semaphore_mem>>, %arg25: memref<!tpu.dma_semaphore, #tpu.memory_space<semaphore_mem>>, %arg26: memref<!tpu.dma_semaphore, #tpu.memory_space<semaphore_mem>>, %arg27: memref<!tpu.dma_semaphore, #tpu.memory_space<semaphore_mem>>) attributes {dimension_semantics = [#tpu.dimension_semantics<core_parallel>, #tpu.dimension_semantics<subcore_parallel>], iteration_bounds = array<i64: 2, 16>, scalar_prefetch = 0 : i64, scratch_operands = 19 : i64, tpu.core_type = #tpu.core_type<sc_vector_subcore>, window_params = [{transform_indices = #map}, {transform_indices = #map}, {transform_indices = #map}, {transform_indices = #map}, {transform_indices = #map}, {transform_indices = #map}, {transform_indices = #map}]} {
    %mul3A = arith.constant 8 : i32
    %mul3A_0 = arith.muli %arg0, %mul3A : i32
    %jit3A = arith.constant 2 : i32
    %div3A = arith.divsi %arg1, %jit3A : i32
    %sign3A = arith.constant 0 : i32
    %sign3A_1 = arith.cmpi sgt, %arg1, %sign3A : i32
    %sign3A_2 = arith.extui %sign3A_1 : i1 to i32
    %sign3A_3 = arith.constant 0 : i32
    %sign3A_4 = arith.cmpi slt, %arg1, %sign3A_3 : i32
    %sign3A_5 = arith.extui %sign3A_4 : i1 to i32
    %sign3A_6 = arith.subi %sign3A_2, %sign3A_5 : i32
    %sign3A_7 = arith.constant 0 : i32
    %sign3A_8 = arith.cmpi sgt, %jit3A, %sign3A_7 : i32
    %sign3A_9 = arith.extui %sign3A_8 : i1 to i32
    %sign3A_10 = arith.constant 0 : i32
    %sign3A_11 = arith.cmpi slt, %jit3A, %sign3A_10 : i32
    %sign3A_12 = arith.extui %sign3A_11 : i1 to i32
    %sign3A_13 = arith.subi %sign3A_9, %sign3A_12 : i32
    %ne3A = arith.cmpi ne, %sign3A_6, %sign3A_13 : i32
    %rem3A = arith.remsi %arg1, %jit3A : i32
    %ne3A_14 = arith.constant 0 : i32
    %ne3A_15 = arith.cmpi ne, %rem3A, %ne3A_14 : i32
    %and3A = arith.andi %ne3A, %ne3A_15 : i1
    %sub3A = arith.constant 1 : i32
    %sub3A_16 = arith.subi %div3A, %sub3A : i32
    %select_n3A = arith.select %and3A, %sub3A_16, %div3A : i32
    %add3A = arith.addi %mul3A_0, %select_n3A : i32
    %jit3A_17 = arith.constant 2 : i32
    %eq3A = arith.constant 0 : i32
    %eq3A_18 = arith.cmpi eq, %jit3A_17, %eq3A : i32
    %jit3A_19 = arith.constant 1 : i32
    %select_n3A_20 = arith.select %eq3A_18, %jit3A_19, %jit3A_17 : i32
    %rem3A_21 = arith.remsi %arg1, %select_n3A_20 : i32
    %ne3A_22 = arith.constant 0 : i32
    %ne3A_23 = arith.cmpi ne, %rem3A_21, %ne3A_22 : i32
    %lt3A = arith.constant 0 : i32
    %lt3A_24 = arith.cmpi slt, %rem3A_21, %lt3A : i32
    %lt3A_25 = arith.constant 0 : i32
    %lt3A_26 = arith.cmpi slt, %select_n3A_20, %lt3A_25 : i32
    %ne3A_27 = arith.xori %lt3A_24, %lt3A_26 : i1
    %and3A_28 = arith.andi %ne3A_27, %ne3A_23 : i1
    %add3A_29 = arith.addi %rem3A_21, %select_n3A_20 : i32
    %select_n3A_30 = arith.select %and3A_28, %add3A_29, %rem3A_21 : i32
    %mul3A_31 = arith.constant 500 : i32
    %mul3A_32 = arith.muli %select_n3A_30, %mul3A_31 : i32
    %iota3A = tpu.iota {dimensions = array<i32: 0>} : vector<16xi32>
    "tpu.region"() ({
      %run_scoped3A = tpu.sem_alloc : memref<!tpu.dma_semaphore, #tpu.memory_space<semaphore_mem>>
      tpu.enqueue_dma source(%arg6 : memref<16xi32, #tpu.memory_space<hbm>>) target(%arg21 : memref<16xi32, #tpu.memory_space<vmem>>) target_semaphore(%run_scoped3A : memref<!tpu.dma_semaphore, #tpu.memory_space<semaphore_mem>>)
      tpu.wait_dma2 semaphore(%run_scoped3A : memref<!tpu.dma_semaphore, #tpu.memory_space<semaphore_mem>>) src(%arg6 : memref<16xi32, #tpu.memory_space<hbm>>) dst(%arg21 : memref<16xi32, #tpu.memory_space<vmem>>)
      tpu.yield
    }) : () -> ()
    "tpu.region"() ({
      %run_scoped3A = tpu.sem_alloc : memref<!tpu.dma_semaphore, #tpu.memory_space<semaphore_mem>>
      tpu.enqueue_dma source(%arg7 : memref<32xf32, #tpu.memory_space<hbm>>) target(%arg22 : memref<32xf32, #tpu.memory_space<vmem>>) target_semaphore(%run_scoped3A : memref<!tpu.dma_semaphore, #tpu.memory_space<semaphore_mem>>)
      tpu.wait_dma2 semaphore(%run_scoped3A : memref<!tpu.dma_semaphore, #tpu.memory_space<semaphore_mem>>) src(%arg7 : memref<32xf32, #tpu.memory_space<hbm>>) dst(%arg22 : memref<32xf32, #tpu.memory_space<vmem>>)
      tpu.yield
    }) : () -> ()
    %broadcast_in_dim3A = vector.broadcast %add3A : i32 to vector<16xi32>
    %gather3A = tpu.vector_load_idx %arg21[%broadcast_in_dim3A] : memref<16xi32, #tpu.memory_space<vmem>>[vector<16xi32>], vector<16xi32>,
    %slice3A = vector.extract_strided_slice %gather3A {offsets = [0], sizes = [1], strides = [1]} : vector<16xi32> to vector<1xi32>
    %squeeze3A = vector.extract %slice3A[0] : i32 from vector<1xi32>
    %mul3A_33 = arith.constant 3000 : i32
    %mul3A_34 = arith.muli %add3A, %mul3A_33 : i32
    %mul3A_35 = arith.constant 1000 : i32
    %mul3A_36 = arith.muli %squeeze3A, %mul3A_35 : i32
    %add3A_37 = arith.addi %mul3A_34, %mul3A_36 : i32
    %add3A_38 = arith.addi %add3A_37, %mul3A_32 : i32
    %mul3A_39 = arith.constant 3 : i32
    %mul3A_40 = arith.muli %add3A_38, %mul3A_39 : i32
    %mul3A_41 = arith.constant 10 : i32
    %mul3A_42 = arith.muli %mul3A_40, %mul3A_41 : i32
    %multiple_of3A = tpu.assume_multiple %mul3A_42, 8 : i32
    "tpu.region"() ({
      %run_scoped3A = tpu.sem_alloc : memref<!tpu.dma_semaphore, #tpu.memory_space<semaphore_mem>>
      %dma_start3A_131 = tpu.memref_slice %arg2[%multiple_of3A] : memref<1440000xf32, #tpu.memory_space<hbm>> -> memref<15000xf32, #tpu.memory_space<hbm>>
      %dma_start3A_132 = tpu.memref_slice %arg2[%multiple_of3A] : memref<1440000xf32, #tpu.memory_space<hbm>> -> memref<15000xf32, #tpu.memory_space<hbm>>
      tpu.enqueue_dma source(%dma_start3A_132 : memref<15000xf32, #tpu.memory_space<hbm>>) target(%arg9 : memref<15000xf32, #tpu.memory_space<vmem>>) target_semaphore(%run_scoped3A : memref<!tpu.dma_semaphore, #tpu.memory_space<semaphore_mem>>)
      %dma_wait3A_133 = tpu.memref_slice %arg2[%multiple_of3A] : memref<1440000xf32, #tpu.memory_space<hbm>> -> memref<15000xf32, #tpu.memory_space<hbm>>
      %dma_wait3A_134 = tpu.memref_slice %arg2[%multiple_of3A] : memref<1440000xf32, #tpu.memory_space<hbm>> -> memref<15000xf32, #tpu.memory_space<hbm>>
      tpu.wait_dma2 semaphore(%run_scoped3A : memref<!tpu.dma_semaphore, #tpu.memory_space<semaphore_mem>>) src(%dma_wait3A_134 : memref<15000xf32, #tpu.memory_space<hbm>>) dst(%arg9 : memref<15000xf32, #tpu.memory_space<vmem>>)
      tpu.yield
    }) : () -> ()
    %mul3A_43 = arith.constant 400000 : i32
    %mul3A_44 = arith.muli %add3A, %mul3A_43 : i32
    %mul3A_45 = arith.constant 80000 : i32
    %mul3A_46 = arith.muli %add3A, %mul3A_45 : i32
    %scan3A = arith.constant 0 : i32
    %scan3A_47 = arith.constant 0 : i32
    %scan3A_48 = arith.constant 10 : i32
    %scan3A_49 = arith.addi %scan3A_47, %scan3A_48 : i32
    %scan3A_50 = arith.constant 1 : i32
    scf.for %scan3A_131 = %scan3A_47 to %scan3A_49 step %scan3A_50  : i32 {
      %mul3A_132 = arith.constant 3 : i32
      %mul3A_133 = arith.muli %mul3A_132, %scan3A_131 : i32
      %broadcast_in_dim3A_134 = vector.broadcast %mul3A_133 : i32 to vector<16xi32>
      %scan3A_135 = arith.constant 0 : i32
      %scan3A_136 = arith.constant 32 : i32
      %scan3A_137 = arith.addi %scan3A_135, %scan3A_136 : i32
      %scan3A_138 = arith.constant 1 : i32
      scf.for %scan3A_140 = %scan3A_135 to %scan3A_137 step %scan3A_138  : i32 {
        %mul3A_141 = arith.constant 16 : i32
        %mul3A_142 = arith.muli %scan3A_140, %mul3A_141 : i32
        %add3A_143 = vector.broadcast %mul3A_142 : i32 to vector<16xi32>
        %add3A_144 = arith.addi %add3A_143, %iota3A : vector<16xi32>
        %min3A = arith.constant 499 : i32
        %min3A_145 = vector.broadcast %min3A : i32 to vector<16xi32>
        %min3A_146 = arith.minsi %add3A_144, %min3A_145 : vector<16xi32>
        %mul3A_147 = arith.constant 30 : i32
        %mul3A_148 = vector.broadcast %mul3A_147 : i32 to vector<16xi32>
        %mul3A_149 = arith.muli %min3A_146, %mul3A_148 : vector<16xi32>
        %add3A_150 = arith.addi %mul3A_149, %broadcast_in_dim3A_134 : vector<16xi32>
        %gather3A_151 = tpu.vector_load_idx %arg9[%add3A_150] : memref<15000xf32, #tpu.memory_space<vmem>>[vector<16xi32>], vector<16xf32>,
        %mul3A_152 = arith.constant 30 : i32
        %mul3A_153 = vector.broadcast %mul3A_152 : i32 to vector<16xi32>
        %mul3A_154 = arith.muli %min3A_146, %mul3A_153 : vector<16xi32>
        %add3A_155 = arith.addi %mul3A_154, %broadcast_in_dim3A_134 : vector<16xi32>
        %add3A_156 = arith.constant 1 : i32
        %add3A_157 = vector.broadcast %add3A_156 : i32 to vector<16xi32>
        %add3A_158 = arith.addi %add3A_155, %add3A_157 : vector<16xi32>
        %gather3A_159 = tpu.vector_load_idx %arg9[%add3A_158] : memref<15000xf32, #tpu.memory_space<vmem>>[vector<16xi32>], vector<16xf32>,
        %mul3A_160 = arith.constant 2.000000e+02 : f32
        %mul3A_161 = vector.broadcast %mul3A_160 : f32 to vector<16xf32>
        %mul3A_162 = arith.mulf %gather3A_151, %mul3A_161 : vector<16xf32>
        %convert_element_type3A = arith.fptosi %mul3A_162 : vector<16xf32> to vector<16xi32>
        %jit3A_163 = arith.constant 0 : i32
        %jit3A_164 = arith.constant 199 : i32
        %max3A = vector.broadcast %jit3A_163 : i32 to vector<16xi32>
        %max3A_165 = arith.maxsi %max3A, %convert_element_type3A : vector<16xi32>
        %min3A_166 = vector.broadcast %jit3A_164 : i32 to vector<16xi32>
        %min3A_167 = arith.minsi %min3A_166, %max3A_165 : vector<16xi32>
        %mul3A_168 = arith.constant 2.000000e+02 : f32
        %mul3A_169 = vector.broadcast %mul3A_168 : f32 to vector<16xf32>
        %mul3A_170 = arith.mulf %gather3A_159, %mul3A_169 : vector<16xf32>
        %convert_element_type3A_171 = arith.fptosi %mul3A_170 : vector<16xf32> to vector<16xi32>
        %jit3A_172 = arith.constant 0 : i32
        %jit3A_173 = arith.constant 199 : i32
        %max3A_174 = vector.broadcast %jit3A_172 : i32 to vector<16xi32>
        %max3A_175 = arith.maxsi %max3A_174, %convert_element_type3A_171 : vector<16xi32>
        %min3A_176 = vector.broadcast %jit3A_173 : i32 to vector<16xi32>
        %min3A_177 = arith.minsi %min3A_176, %max3A_175 : vector<16xi32>
        %mul3A_178 = arith.constant 200 : i32
        %mul3A_179 = vector.broadcast %mul3A_178 : i32 to vector<16xi32>
        %mul3A_180 = arith.muli %min3A_177, %mul3A_179 : vector<16xi32>
        %add3A_181 = arith.addi %mul3A_180, %min3A_167 : vector<16xi32>
        %mul3A_182 = arith.constant 512 : i32
        %mul3A_183 = arith.muli %scan3A_131, %mul3A_182 : i32
        %mul3A_184 = arith.constant 16 : i32
        %mul3A_185 = arith.muli %scan3A_140, %mul3A_184 : i32
        %add3A_186 = arith.addi %mul3A_183, %mul3A_185 : i32
        %mul3A_187 = arith.constant 40000 : i32
        %mul3A_188 = arith.muli %scan3A_131, %mul3A_187 : i32
        %add3A_189 = arith.addi %mul3A_44, %mul3A_188 : i32
        %add3A_190 = vector.broadcast %add3A_189 : i32 to vector<16xi32>
        %add3A_191 = arith.addi %add3A_190, %add3A_181 : vector<16xi32>
        %swap3A_192 = arith.index_cast %add3A_186 : i32 to index
        %swap3A_193 = tpu.vector_load %arg10[%swap3A_192] {strides = array<i32>} : memref<5120xi32, #tpu.memory_space<vmem>>, vector<16xi32>,
        tpu.vector_store %arg10[%swap3A_192], %add3A_191 {strides = array<i32>} : memref<5120xi32, #tpu.memory_space<vmem>>, vector<16xi32>,
        %add3A_194 = vector.broadcast %mul3A_46 : i32 to vector<16xi32>
        %add3A_195 = arith.addi %add3A_194, %add3A_181 : vector<16xi32>
        %swap3A_196 = arith.index_cast %add3A_186 : i32 to index
        %swap3A_197 = tpu.vector_load %arg11[%swap3A_196] {strides = array<i32>} : memref<5120xi32, #tpu.memory_space<vmem>>, vector<16xi32>,
        tpu.vector_store %arg11[%swap3A_196], %add3A_195 {strides = array<i32>} : memref<5120xi32, #tpu.memory_space<vmem>>, vector<16xi32>,
        %add3A_198 = arith.constant 40000 : i32
        %add3A_199 = arith.addi %mul3A_46, %add3A_198 : i32
        %add3A_200 = vector.broadcast %add3A_199 : i32 to vector<16xi32>
        %add3A_201 = arith.addi %add3A_200, %add3A_181 : vector<16xi32>
        %swap3A_202 = arith.index_cast %add3A_186 : i32 to index
        %swap3A_203 = tpu.vector_load %arg12[%swap3A_202] {strides = array<i32>} : memref<5120xi32, #tpu.memory_space<vmem>>, vector<16xi32>,
        tpu.vector_store %arg12[%swap3A_202], %add3A_201 {strides = array<i32>} : memref<5120xi32, #tpu.memory_space<vmem>>, vector<16xi32>,
        %eq3A_204 = arith.constant 9 : i32
        %eq3A_205 = arith.cmpi eq, %scan3A_131, %eq3A_204 : i32
        %convert_element_type3A_206 = arith.extui %eq3A_205 : i1 to i32
        %cond3A = arith.constant 0 : i32
        %cond3A_207 = arith.cmpi ne, %convert_element_type3A_206, %cond3A : i32
        scf.if %cond3A_207 {
          %mul3A_208 = arith.constant 16 : i32
          %mul3A_209 = arith.muli %scan3A_140, %mul3A_208 : i32
          %swap3A_210 = arith.index_cast %mul3A_209 : i32 to index
          %swap3A_211 = tpu.vector_load %arg17[%swap3A_210] {strides = array<i32>} : memref<512xf32, #tpu.memory_space<vmem>>, vector<16xf32>,
          tpu.vector_store %arg17[%swap3A_210], %gather3A_151 {strides = array<i32>} : memref<512xf32, #tpu.memory_space<vmem>>, vector<16xf32>,
          %mul3A_212 = arith.constant 16 : i32
          %mul3A_213 = arith.muli %scan3A_140, %mul3A_212 : i32
          %swap3A_214 = arith.index_cast %mul3A_213 : i32 to index
          %swap3A_215 = tpu.vector_load %arg18[%swap3A_214] {strides = array<i32>} : memref<512xf32, #tpu.memory_space<vmem>>, vector<16xf32>,
          tpu.vector_store %arg18[%swap3A_214], %gather3A_159 {strides = array<i32>} : memref<512xf32, #tpu.memory_space<vmem>>, vector<16xf32>,
        } else {
        }
      }
      %scan3A_139 = arith.constant 32 : i32
    }
    %scan3A_51 = arith.constant 10 : i32
    %dma_start3A = arith.constant 0 : i32
    %dma_start3A_52 = tpu.memref_slice %arg3[%dma_start3A] : memref<6400000xf32, #tpu.memory_space<hbm>> -> memref<6400000xf32, #tpu.memory_space<hbm>>
    tpu.enqueue_indirect_dma source(%dma_start3A_52 : memref<6400000xf32, #tpu.memory_space<hbm>>) target(%arg13 : memref<5120xf32, #tpu.memory_space<vmem>>) offsets(%arg10 : memref<5120xi32, #tpu.memory_space<vmem>>) semaphore(%arg24 : memref<!tpu.dma_semaphore, #tpu.memory_space<semaphore_mem>>)
    %dma_start3A_53 = arith.constant 0 : i32
    %dma_start3A_54 = tpu.memref_slice %arg4[%dma_start3A_53] : memref<6400000xf32, #tpu.memory_space<hbm>> -> memref<6400000xf32, #tpu.memory_space<hbm>>
    tpu.enqueue_indirect_dma source(%dma_start3A_54 : memref<6400000xf32, #tpu.memory_space<hbm>>) target(%arg14 : memref<5120xf32, #tpu.memory_space<vmem>>) offsets(%arg10 : memref<5120xi32, #tpu.memory_space<vmem>>) semaphore(%arg25 : memref<!tpu.dma_semaphore, #tpu.memory_space<semaphore_mem>>)
    %dma_start3A_55 = arith.constant 0 : i32
    %dma_start3A_56 = tpu.memref_slice %arg5[%dma_start3A_55] : memref<1280000xf32, #tpu.memory_space<hbm>> -> memref<1280000xf32, #tpu.memory_space<hbm>>
    tpu.enqueue_indirect_dma source(%dma_start3A_56 : memref<1280000xf32, #tpu.memory_space<hbm>>) target(%arg15 : memref<5120xf32, #tpu.memory_space<vmem>>) offsets(%arg11 : memref<5120xi32, #tpu.memory_space<vmem>>) semaphore(%arg26 : memref<!tpu.dma_semaphore, #tpu.memory_space<semaphore_mem>>)
    %dma_start3A_57 = arith.constant 0 : i32
    %dma_start3A_58 = tpu.memref_slice %arg5[%dma_start3A_57] : memref<1280000xf32, #tpu.memory_space<hbm>> -> memref<1280000xf32, #tpu.memory_space<hbm>>
    tpu.enqueue_indirect_dma source(%dma_start3A_58 : memref<1280000xf32, #tpu.memory_space<hbm>>) target(%arg16 : memref<5120xf32, #tpu.memory_space<vmem>>) offsets(%arg12 : memref<5120xi32, #tpu.memory_space<vmem>>) semaphore(%arg27 : memref<!tpu.dma_semaphore, #tpu.memory_space<semaphore_mem>>)
    %dma_wait3A = arith.constant 0 : i32
    %dma_wait3A_59 = tpu.memref_slice %arg3[%dma_wait3A] : memref<6400000xf32, #tpu.memory_space<hbm>> -> memref<6400000xf32, #tpu.memory_space<hbm>>
    tpu.wait_indirect_dma semaphore(%arg24 : memref<!tpu.dma_semaphore, #tpu.memory_space<semaphore_mem>>) src(%dma_wait3A_59 : memref<6400000xf32, #tpu.memory_space<hbm>>) dst(%arg13 : memref<5120xf32, #tpu.memory_space<vmem>>)
    %dma_wait3A_60 = arith.constant 0 : i32
    %dma_wait3A_61 = tpu.memref_slice %arg4[%dma_wait3A_60] : memref<6400000xf32, #tpu.memory_space<hbm>> -> memref<6400000xf32, #tpu.memory_space<hbm>>
    tpu.wait_indirect_dma semaphore(%arg25 : memref<!tpu.dma_semaphore, #tpu.memory_space<semaphore_mem>>) src(%dma_wait3A_61 : memref<6400000xf32, #tpu.memory_space<hbm>>) dst(%arg14 : memref<5120xf32, #tpu.memory_space<vmem>>)
    %dma_wait3A_62 = arith.constant 0 : i32
    %dma_wait3A_63 = tpu.memref_slice %arg5[%dma_wait3A_62] : memref<1280000xf32, #tpu.memory_space<hbm>> -> memref<1280000xf32, #tpu.memory_space<hbm>>
    tpu.wait_indirect_dma semaphore(%arg26 : memref<!tpu.dma_semaphore, #tpu.memory_space<semaphore_mem>>) src(%dma_wait3A_63 : memref<1280000xf32, #tpu.memory_space<hbm>>) dst(%arg15 : memref<5120xf32, #tpu.memory_space<vmem>>)
    %dma_wait3A_64 = arith.constant 0 : i32
    %dma_wait3A_65 = tpu.memref_slice %arg5[%dma_wait3A_64] : memref<1280000xf32, #tpu.memory_space<hbm>> -> memref<1280000xf32, #tpu.memory_space<hbm>>
    tpu.wait_indirect_dma semaphore(%arg27 : memref<!tpu.dma_semaphore, #tpu.memory_space<semaphore_mem>>) src(%dma_wait3A_65 : memref<1280000xf32, #tpu.memory_space<hbm>>) dst(%arg16 : memref<5120xf32, #tpu.memory_space<vmem>>)
    %mul3A_66 = arith.constant 2 : i32
    %mul3A_67 = vector.broadcast %mul3A_66 : i32 to vector<16xi32>
    %mul3A_68 = arith.muli %mul3A_67, %broadcast_in_dim3A : vector<16xi32>
    %gather3A_69 = tpu.vector_load_idx %arg22[%mul3A_68] : memref<32xf32, #tpu.memory_space<vmem>>[vector<16xi32>], vector<16xf32>,
    %slice3A_70 = vector.extract_strided_slice %gather3A_69 {offsets = [0], sizes = [1], strides = [1]} : vector<16xf32> to vector<1xf32>
    %squeeze3A_71 = vector.extract %slice3A_70[0] : f32 from vector<1xf32>
    %mul3A_72 = arith.constant 2 : i32
    %mul3A_73 = vector.broadcast %mul3A_72 : i32 to vector<16xi32>
    %mul3A_74 = arith.muli %mul3A_73, %broadcast_in_dim3A : vector<16xi32>
    %add3A_75 = arith.constant 1 : i32
    %add3A_76 = vector.broadcast %add3A_75 : i32 to vector<16xi32>
    %add3A_77 = arith.addi %mul3A_74, %add3A_76 : vector<16xi32>
    %gather3A_78 = tpu.vector_load_idx %arg22[%add3A_77] : memref<32xf32, #tpu.memory_space<vmem>>[vector<16xi32>], vector<16xf32>,
    %slice3A_79 = vector.extract_strided_slice %gather3A_78 {offsets = [0], sizes = [1], strides = [1]} : vector<16xf32> to vector<1xf32>
    %squeeze3A_80 = vector.extract %slice3A_79[0] : f32 from vector<1xf32>
    %scan3A_81 = arith.constant 0 : i32
    %scan3A_82 = arith.constant 0 : i32
    %scan3A_83 = arith.constant 32 : i32
    %scan3A_84 = arith.addi %scan3A_82, %scan3A_83 : i32
    %scan3A_85 = arith.constant 1 : i32
    scf.for %scan3A_131 = %scan3A_82 to %scan3A_84 step %scan3A_85  : i32 {
      %mul3A_132 = arith.constant 16 : i32
      %mul3A_133 = arith.muli %scan3A_131, %mul3A_132 : i32
      %broadcast_in_dim3A_134 = arith.constant 0.000000e+00 : f32
      %broadcast_in_dim3A_135 = vector.broadcast %broadcast_in_dim3A_134 : f32 to vector<16xf32>
      %scan3A_136 = arith.constant 0 : i32
      %scan3A_137 = arith.constant 10 : i32
      %scan3A_138 = arith.addi %scan3A_136, %scan3A_137 : i32
      %scan3A_139 = arith.constant 1 : i32
      %scan3A_140:2 = scf.for %scan3A_157 = %scan3A_136 to %scan3A_138 step %scan3A_139 iter_args(%scan3A_158 = %broadcast_in_dim3A_135, %scan3A_159 = %broadcast_in_dim3A_135) -> (vector<16xf32>, vector<16xf32>)  : i32 {
        %mul3A_160 = arith.constant 512 : i32
        %mul3A_161 = arith.muli %scan3A_157, %mul3A_160 : i32
        %add3A_162 = arith.addi %mul3A_161, %mul3A_133 : i32
        %get3A_163 = arith.index_cast %add3A_162 : i32 to index
        %get3A_164 = tpu.vector_load %arg13[%get3A_163] {strides = array<i32>} : memref<5120xf32, #tpu.memory_space<vmem>>, vector<16xf32>,
        %get3A_165 = arith.index_cast %add3A_162 : i32 to index
        %get3A_166 = tpu.vector_load %arg14[%get3A_165] {strides = array<i32>} : memref<5120xf32, #tpu.memory_space<vmem>>, vector<16xf32>,
        %get3A_167 = arith.index_cast %add3A_162 : i32 to index
        %get3A_168 = tpu.vector_load %arg15[%get3A_167] {strides = array<i32>} : memref<5120xf32, #tpu.memory_space<vmem>>, vector<16xf32>,
        %get3A_169 = arith.index_cast %add3A_162 : i32 to index
        %get3A_170 = tpu.vector_load %arg16[%get3A_169] {strides = array<i32>} : memref<5120xf32, #tpu.memory_space<vmem>>, vector<16xf32>,
        %mul3A_171 = arith.constant 5.000000e+00 : f32
        %mul3A_172 = vector.broadcast %mul3A_171 : f32 to vector<16xf32>
        %mul3A_173 = arith.mulf %mul3A_172, %get3A_166 : vector<16xf32>
        %add3A_174 = arith.addf %get3A_164, %mul3A_173 : vector<16xf32>
        %mul3A_175 = arith.constant 2.000000e+00 : f32
        %mul3A_176 = vector.broadcast %mul3A_175 : f32 to vector<16xf32>
        %mul3A_177 = arith.mulf %mul3A_176, %get3A_168 : vector<16xf32>
        %add3A_178 = arith.addf %add3A_174, %mul3A_177 : vector<16xf32>
        %mul3A_179 = arith.constant 3.000000e+00 : f32
        %mul3A_180 = vector.broadcast %mul3A_179 : f32 to vector<16xf32>
        %mul3A_181 = arith.mulf %mul3A_180, %get3A_170 : vector<16xf32>
        %sub3A_182 = arith.subf %add3A_178, %mul3A_181 : vector<16xf32>
        %add3A_183 = arith.addf %scan3A_158, %sub3A_182 : vector<16xf32>
        %add3A_184 = arith.addf %scan3A_159, %get3A_166 : vector<16xf32>
        scf.yield %add3A_183, %add3A_184 : vector<16xf32>, vector<16xf32>
      }
      %scan3A_141 = arith.constant 10 : i32
      %get3A = arith.index_cast %mul3A_133 : i32 to index
      %get3A_142 = tpu.vector_load %arg17[%get3A] {strides = array<i32>} : memref<512xf32, #tpu.memory_space<vmem>>, vector<16xf32>,
      %sub3A_143 = vector.broadcast %squeeze3A_71 : f32 to vector<16xf32>
      %sub3A_144 = arith.subf %get3A_142, %sub3A_143 : vector<16xf32>
      %get3A_145 = arith.index_cast %mul3A_133 : i32 to index
      %get3A_146 = tpu.vector_load %arg18[%get3A_145] {strides = array<i32>} : memref<512xf32, #tpu.memory_space<vmem>>, vector<16xf32>,
      %sub3A_147 = vector.broadcast %squeeze3A_80 : f32 to vector<16xf32>
      %sub3A_148 = arith.subf %get3A_146, %sub3A_147 : vector<16xf32>
      %mul3A_149 = arith.mulf %sub3A_144, %sub3A_144 : vector<16xf32>
      %add3A_150 = arith.addf %scan3A_140#0, %mul3A_149 : vector<16xf32>
      %mul3A_151 = arith.mulf %sub3A_148, %sub3A_148 : vector<16xf32>
      %add3A_152 = arith.addf %add3A_150, %mul3A_151 : vector<16xf32>
      %swap3A_153 = arith.index_cast %mul3A_133 : i32 to index
      %swap3A_154 = tpu.vector_load %arg19[%swap3A_153] {strides = array<i32>} : memref<512xf32, #tpu.memory_space<vmem>>, vector<16xf32>,
      tpu.vector_store %arg19[%swap3A_153], %add3A_152 {strides = array<i32>} : memref<512xf32, #tpu.memory_space<vmem>>, vector<16xf32>,
      %swap3A_155 = arith.index_cast %mul3A_133 : i32 to index
      %swap3A_156 = tpu.vector_load %arg20[%swap3A_155] {strides = array<i32>} : memref<512xf32, #tpu.memory_space<vmem>>, vector<16xf32>,
      tpu.vector_store %arg20[%swap3A_155], %scan3A_140#1 {strides = array<i32>} : memref<512xf32, #tpu.memory_space<vmem>>, vector<16xf32>,
    }
    %scan3A_86 = arith.constant 32 : i32
    %scan3A_87 = arith.constant 0x7F800000 : f32
    %scan3A_88 = arith.constant 0 : i32
    %scan3A_89 = arith.constant 32 : i32
    %scan3A_90 = arith.addi %scan3A_88, %scan3A_89 : i32
    %scan3A_91 = arith.constant 1 : i32
    %scan3A_92 = scf.for %scan3A_131 = %scan3A_88 to %scan3A_90 step %scan3A_91 iter_args(%scan3A_132 = %scan3A_87) -> (f32)  : i32 {
      %mul3A_133 = arith.constant 16 : i32
      %mul3A_134 = arith.muli %scan3A_131, %mul3A_133 : i32
      %get3A = arith.index_cast %mul3A_134 : i32 to index
      %get3A_135 = tpu.vector_load %arg19[%get3A] {strides = array<i32>} : memref<512xf32, #tpu.memory_space<vmem>>, vector<16xf32>,
      %reduce_min3A = arith.constant true
      %reduce_min3A_136 = vector.broadcast %reduce_min3A : i1 to vector<16xi1>
      %reduce_min3A_137 = tpu.scan <min>, %get3A_135 masked %reduce_min3A_136 : vector<16xf32>, vector<16xi1> -> vector<16xf32>
      %reduce_min3A_138 = vector.extract %reduce_min3A_137[15] : f32 from vector<16xf32>
      %min3A = arith.minimumf %scan3A_132, %reduce_min3A_138 : f32
      scf.yield %min3A : f32
    }
    %scan3A_93 = arith.constant 32 : i32
    %scan3A_94 = arith.constant 1073741824 : i32
    %scan3A_95 = arith.constant 0 : i32
    %scan3A_96 = arith.constant 32 : i32
    %scan3A_97 = arith.addi %scan3A_95, %scan3A_96 : i32
    %scan3A_98 = arith.constant 1 : i32
    %scan3A_99 = scf.for %scan3A_131 = %scan3A_95 to %scan3A_97 step %scan3A_98 iter_args(%scan3A_132 = %scan3A_94) -> (i32)  : i32 {
      %mul3A_133 = arith.constant 16 : i32
      %mul3A_134 = arith.muli %scan3A_131, %mul3A_133 : i32
      %get3A = arith.index_cast %mul3A_134 : i32 to index
      %get3A_135 = tpu.vector_load %arg19[%get3A] {strides = array<i32>} : memref<512xf32, #tpu.memory_space<vmem>>, vector<16xf32>,
      %mul3A_136 = arith.constant 16 : i32
      %mul3A_137 = arith.muli %scan3A_131, %mul3A_136 : i32
      %add3A_138 = vector.broadcast %mul3A_137 : i32 to vector<16xi32>
      %add3A_139 = arith.addi %add3A_138, %iota3A : vector<16xi32>
      %min3A = arith.constant 499 : i32
      %min3A_140 = vector.broadcast %min3A : i32 to vector<16xi32>
      %min3A_141 = arith.minsi %add3A_139, %min3A_140 : vector<16xi32>
      %add3A_142 = vector.broadcast %mul3A_32 : i32 to vector<16xi32>
      %add3A_143 = arith.addi %add3A_142, %min3A_141 : vector<16xi32>
      %eq3A_144 = vector.broadcast %scan3A_92 : f32 to vector<16xf32>
      %eq3A_145 = arith.cmpf oeq, %get3A_135, %eq3A_144 : vector<16xf32>
      %jit3A_146 = arith.constant 1073741824 : i32
      %broadcast_in_dim3A_147 = vector.broadcast %jit3A_146 : i32 to vector<16xi32>
      %select_n3A_148 = arith.select %eq3A_145, %add3A_143, %broadcast_in_dim3A_147 : vector<16xi1>, vector<16xi32>
      %reduce_min3A = arith.constant true
      %reduce_min3A_149 = vector.broadcast %reduce_min3A : i1 to vector<16xi1>
      %reduce_min3A_150 = arith.constant -2147483648 : i32
      %reduce_min3A_151 = vector.broadcast %reduce_min3A_150 : i32 to vector<16xi32>
      %reduce_min3A_152 = arith.xori %select_n3A_148, %reduce_min3A_151 : vector<16xi32>
      %reduce_min3A_153 = tpu.scan <min>, %reduce_min3A_152 masked %reduce_min3A_149 : vector<16xi32>, vector<16xi1> -> vector<16xi32>
      %reduce_min3A_154 = arith.xori %reduce_min3A_153, %reduce_min3A_151 : vector<16xi32>
      %reduce_min3A_155 = vector.extract %reduce_min3A_154[15] : i32 from vector<16xi32>
      %min3A_156 = arith.minsi %scan3A_132, %reduce_min3A_155 : i32
      scf.yield %min3A_156 : i32
    }
    %scan3A_100 = arith.constant 32 : i32
    %scan3A_101 = arith.constant 0.000000e+00 : f32
    %scan3A_102 = arith.constant 0 : i32
    %scan3A_103 = arith.constant 32 : i32
    %scan3A_104 = arith.addi %scan3A_102, %scan3A_103 : i32
    %scan3A_105 = arith.constant 1 : i32
    %scan3A_106 = scf.for %scan3A_131 = %scan3A_102 to %scan3A_104 step %scan3A_105 iter_args(%scan3A_132 = %scan3A_101) -> (f32)  : i32 {
      %mul3A_133 = arith.constant 16 : i32
      %mul3A_134 = arith.muli %scan3A_131, %mul3A_133 : i32
      %get3A = arith.index_cast %mul3A_134 : i32 to index
      %get3A_135 = tpu.vector_load %arg20[%get3A] {strides = array<i32>} : memref<512xf32, #tpu.memory_space<vmem>>, vector<16xf32>,
      %mul3A_136 = arith.constant 16 : i32
      %mul3A_137 = arith.muli %scan3A_131, %mul3A_136 : i32
      %add3A_138 = arith.addi %mul3A_32, %mul3A_137 : i32
      %add3A_139 = vector.broadcast %add3A_138 : i32 to vector<16xi32>
      %add3A_140 = arith.addi %add3A_139, %iota3A : vector<16xi32>
      %eq3A_141 = vector.broadcast %scan3A_99 : i32 to vector<16xi32>
      %eq3A_142 = arith.cmpi eq, %add3A_140, %eq3A_141 : vector<16xi32>
      %jit3A_143 = arith.constant 0.000000e+00 : f32
      %broadcast_in_dim3A_144 = vector.broadcast %jit3A_143 : f32 to vector<16xf32>
      %select_n3A_145 = arith.select %eq3A_142, %get3A_135, %broadcast_in_dim3A_144 : vector<16xi1>, vector<16xf32>
      %reduce_sum3A = arith.constant true
      %reduce_sum3A_146 = vector.broadcast %reduce_sum3A : i1 to vector<16xi1>
      %reduce_sum3A_147 = tpu.scan <sum>, %select_n3A_145 masked %reduce_sum3A_146 : vector<16xf32>, vector<16xi1> -> vector<16xf32>
      %reduce_sum3A_148 = vector.extract %reduce_sum3A_147[15] : f32 from vector<16xf32>
      %add3A_149 = arith.addf %scan3A_132, %reduce_sum3A_148 : f32
      scf.yield %add3A_149 : f32
    }
    %scan3A_107 = arith.constant 32 : i32
    %eq3A_108 = arith.constant 0 : i32
    %eq3A_109 = vector.broadcast %eq3A_108 : i32 to vector<16xi32>
    %eq3A_110 = arith.cmpi eq, %iota3A, %eq3A_109 : vector<16xi32>
    %jit3A_111 = arith.constant 0.000000e+00 : f32
    %broadcast_in_dim3A_112 = vector.broadcast %scan3A_92 : f32 to vector<16xf32>
    %broadcast_in_dim3A_113 = vector.broadcast %jit3A_111 : f32 to vector<16xf32>
    %select_n3A_114 = arith.select %eq3A_110, %broadcast_in_dim3A_112, %broadcast_in_dim3A_113 : vector<16xi1>, vector<16xf32>
    %eq3A_115 = arith.constant 1 : i32
    %eq3A_116 = vector.broadcast %eq3A_115 : i32 to vector<16xi32>
    %eq3A_117 = arith.cmpi eq, %iota3A, %eq3A_116 : vector<16xi32>
    %broadcast_in_dim3A_118 = vector.broadcast %scan3A_106 : f32 to vector<16xf32>
    %select_n3A_119 = arith.select %eq3A_117, %broadcast_in_dim3A_118, %select_n3A_114 : vector<16xi1>, vector<16xf32>
    %eq3A_120 = arith.constant 2 : i32
    %eq3A_121 = vector.broadcast %eq3A_120 : i32 to vector<16xi32>
    %eq3A_122 = arith.cmpi eq, %iota3A, %eq3A_121 : vector<16xi32>
    %broadcast_in_dim3A_123 = vector.broadcast %scan3A_99 : i32 to vector<16xi32>
    %bitcast3A = vector.bitcast %broadcast_in_dim3A_123 : vector<16xi32> to vector<16xf32>
    %select_n3A_124 = arith.select %eq3A_122, %bitcast3A, %select_n3A_119 : vector<16xi1>, vector<16xf32>
    %swap3A = arith.constant 0 : index
    %swap3A_125 = tpu.vector_load %arg23[%swap3A] {strides = array<i32>} : memref<16xf32, #tpu.memory_space<vmem>>, vector<16xf32>,
    tpu.vector_store %arg23[%swap3A], %select_n3A_124 {strides = array<i32>} : memref<16xf32, #tpu.memory_space<vmem>>, vector<16xf32>,
    %mul3A_126 = arith.constant 2 : i32
    %mul3A_127 = arith.muli %add3A, %mul3A_126 : i32
    %add3A_128 = arith.addi %mul3A_127, %select_n3A_30 : i32
    %mul3A_129 = arith.constant 16 : i32
    %mul3A_130 = arith.muli %add3A_128, %mul3A_129 : i32
    "tpu.region"() ({
      %run_scoped3A = tpu.sem_alloc : memref<!tpu.dma_semaphore, #tpu.memory_space<semaphore_mem>>
      %dma_start3A_131 = tpu.memref_slice %arg8[%mul3A_130] : memref<512xf32, #tpu.memory_space<hbm>> -> memref<16xf32, #tpu.memory_space<hbm>>
      %dma_start3A_132 = tpu.memref_slice %arg8[%mul3A_130] : memref<512xf32, #tpu.memory_space<hbm>> -> memref<16xf32, #tpu.memory_space<hbm>>
      tpu.enqueue_dma source(%arg23 : memref<16xf32, #tpu.memory_space<vmem>>) target(%dma_start3A_132 : memref<16xf32, #tpu.memory_space<hbm>>) target_semaphore(%run_scoped3A : memref<!tpu.dma_semaphore, #tpu.memory_space<semaphore_mem>>)
      %dma_wait3A_133 = tpu.memref_slice %arg8[%mul3A_130] : memref<512xf32, #tpu.memory_space<hbm>> -> memref<16xf32, #tpu.memory_space<hbm>>
      %dma_wait3A_134 = tpu.memref_slice %arg8[%mul3A_130] : memref<512xf32, #tpu.memory_space<hbm>> -> memref<16xf32, #tpu.memory_space<hbm>>
      tpu.wait_dma2 semaphore(%run_scoped3A : memref<!tpu.dma_semaphore, #tpu.memory_space<semaphore_mem>>) src(%arg23 : memref<16xf32, #tpu.memory_space<vmem>>) dst(%dma_wait3A_134 : memref<16xf32, #tpu.memory_space<hbm>>)
      tpu.yield
    }) : () -> ()
    return
  }
}

#map = affine_map<(d0, d1) -> (0)>
#map1 = affine_map<(d0, d1) -> (0, 0)>
module attributes {stable_mosaic.version = 14 : i64} {
  func.func @_plan_phase2(%arg0: i32, %arg1: i32, %arg2: memref<1440000xf32, #tpu.memory_space<hbm>>, %arg3: memref<16xi32, #tpu.memory_space<hbm>>, %arg4: memref<512xf32, #tpu.memory_space<hbm>>, %arg5: memref<16x32xf32, #tpu.memory_space<hbm>>, %arg6: memref<32xf32, #tpu.memory_space<vmem>>, %arg7: memref<16xi32, #tpu.memory_space<vmem>>, %arg8: memref<40xf32, #tpu.memory_space<vmem>>, %arg9: memref<32xf32, #tpu.memory_space<vmem>>) attributes {dimension_semantics = [#tpu.dimension_semantics<core_parallel>, #tpu.dimension_semantics<subcore_parallel>], iteration_bounds = array<i64: 2, 16>, scalar_prefetch = 0 : i64, scratch_operands = 4 : i64, tpu.core_type = #tpu.core_type<sc_vector_subcore>, window_params = [{transform_indices = #map}, {transform_indices = #map}, {transform_indices = #map}, {transform_indices = #map1}]} {
    %eq3A = arith.constant 0 : i32
    %eq3A_0 = arith.cmpi eq, %arg0, %eq3A : i32
    %convert_element_type3A = arith.extui %eq3A_0 : i1 to i32
    %cond3A = arith.constant 0 : i32
    %cond3A_1 = arith.cmpi ne, %convert_element_type3A, %cond3A : i32
    scf.if %cond3A_1 {
      %iota3A = tpu.iota {dimensions = array<i32: 0>} : vector<16xi32>
      "tpu.region"() ({
        %run_scoped3A = tpu.sem_alloc : memref<!tpu.dma_semaphore, #tpu.memory_space<semaphore_mem>>
        tpu.enqueue_dma source(%arg3 : memref<16xi32, #tpu.memory_space<hbm>>) target(%arg7 : memref<16xi32, #tpu.memory_space<vmem>>) target_semaphore(%run_scoped3A : memref<!tpu.dma_semaphore, #tpu.memory_space<semaphore_mem>>)
        tpu.wait_dma2 semaphore(%run_scoped3A : memref<!tpu.dma_semaphore, #tpu.memory_space<semaphore_mem>>) src(%arg3 : memref<16xi32, #tpu.memory_space<hbm>>) dst(%arg7 : memref<16xi32, #tpu.memory_space<vmem>>)
        tpu.yield
      }) : () -> ()
      %mul3A = arith.constant 2 : i32
      %mul3A_2 = arith.muli %arg1, %mul3A : i32
      %mul3A_3 = arith.constant 16 : i32
      %mul3A_4 = arith.muli %mul3A_2, %mul3A_3 : i32
      "tpu.region"() ({
        %run_scoped3A = tpu.sem_alloc : memref<!tpu.dma_semaphore, #tpu.memory_space<semaphore_mem>>
        %dma_start3A = tpu.memref_slice %arg4[%mul3A_4] : memref<512xf32, #tpu.memory_space<hbm>> -> memref<32xf32, #tpu.memory_space<hbm>>
        %dma_start3A_55 = tpu.memref_slice %arg4[%mul3A_4] : memref<512xf32, #tpu.memory_space<hbm>> -> memref<32xf32, #tpu.memory_space<hbm>>
        tpu.enqueue_dma source(%dma_start3A_55 : memref<32xf32, #tpu.memory_space<hbm>>) target(%arg6 : memref<32xf32, #tpu.memory_space<vmem>>) target_semaphore(%run_scoped3A : memref<!tpu.dma_semaphore, #tpu.memory_space<semaphore_mem>>)
        %dma_wait3A = tpu.memref_slice %arg4[%mul3A_4] : memref<512xf32, #tpu.memory_space<hbm>> -> memref<32xf32, #tpu.memory_space<hbm>>
        %dma_wait3A_56 = tpu.memref_slice %arg4[%mul3A_4] : memref<512xf32, #tpu.memory_space<hbm>> -> memref<32xf32, #tpu.memory_space<hbm>>
        tpu.wait_dma2 semaphore(%run_scoped3A : memref<!tpu.dma_semaphore, #tpu.memory_space<semaphore_mem>>) src(%dma_wait3A_56 : memref<32xf32, #tpu.memory_space<hbm>>) dst(%arg6 : memref<32xf32, #tpu.memory_space<vmem>>)
        tpu.yield
      }) : () -> ()
      %broadcast_in_dim3A = vector.broadcast %arg1 : i32 to vector<16xi32>
      %gather3A = tpu.vector_load_idx %arg7[%broadcast_in_dim3A] : memref<16xi32, #tpu.memory_space<vmem>>[vector<16xi32>], vector<16xi32>,
      %slice3A = vector.extract_strided_slice %gather3A {offsets = [0], sizes = [1], strides = [1]} : vector<16xi32> to vector<1xi32>
      %squeeze3A = vector.extract %slice3A[0] : i32 from vector<1xi32>
      %get3A = arith.constant 0 : index
      %get3A_5 = tpu.vector_load %arg6[%get3A] {strides = array<i32>} : memref<32xf32, #tpu.memory_space<vmem>>, vector<16xf32>,
      %get3A_6 = arith.constant 16 : index
      %get3A_7 = tpu.vector_load %arg6[%get3A_6] {strides = array<i32>} : memref<32xf32, #tpu.memory_space<vmem>>, vector<16xf32>,
      %slice3A_8 = vector.extract_strided_slice %get3A_5 {offsets = [0], sizes = [1], strides = [1]} : vector<16xf32> to vector<1xf32>
      %squeeze3A_9 = vector.extract %slice3A_8[0] : f32 from vector<1xf32>
      %slice3A_10 = vector.extract_strided_slice %get3A_7 {offsets = [0], sizes = [1], strides = [1]} : vector<16xf32> to vector<1xf32>
      %squeeze3A_11 = vector.extract %slice3A_10[0] : f32 from vector<1xf32>
      %lt3A = arith.cmpf olt, %squeeze3A_11, %squeeze3A_9 : f32
      %select_n3A = arith.select %lt3A, %squeeze3A_11, %squeeze3A_9 : f32
      %slice3A_12 = vector.extract_strided_slice %get3A_7 {offsets = [1], sizes = [1], strides = [1]} : vector<16xf32> to vector<1xf32>
      %squeeze3A_13 = vector.extract %slice3A_12[0] : f32 from vector<1xf32>
      %slice3A_14 = vector.extract_strided_slice %get3A_5 {offsets = [1], sizes = [1], strides = [1]} : vector<16xf32> to vector<1xf32>
      %squeeze3A_15 = vector.extract %slice3A_14[0] : f32 from vector<1xf32>
      %select_n3A_16 = arith.select %lt3A, %squeeze3A_13, %squeeze3A_15 : f32
      %bitcast3A = vector.bitcast %get3A_7 : vector<16xf32> to vector<16xi32>
      %slice3A_17 = vector.extract_strided_slice %bitcast3A {offsets = [2], sizes = [1], strides = [1]} : vector<16xi32> to vector<1xi32>
      %squeeze3A_18 = vector.extract %slice3A_17[0] : i32 from vector<1xi32>
      %bitcast3A_19 = vector.bitcast %get3A_5 : vector<16xf32> to vector<16xi32>
      %slice3A_20 = vector.extract_strided_slice %bitcast3A_19 {offsets = [2], sizes = [1], strides = [1]} : vector<16xi32> to vector<1xi32>
      %squeeze3A_21 = vector.extract %slice3A_20[0] : i32 from vector<1xi32>
      %select_n3A_22 = arith.select %lt3A, %squeeze3A_18, %squeeze3A_21 : i32
      %mul3A_23 = arith.constant 3000 : i32
      %mul3A_24 = arith.muli %arg1, %mul3A_23 : i32
      %mul3A_25 = arith.constant 1000 : i32
      %mul3A_26 = arith.muli %squeeze3A, %mul3A_25 : i32
      %add3A = arith.addi %mul3A_24, %mul3A_26 : i32
      %add3A_27 = arith.addi %add3A, %select_n3A_22 : i32
      %mul3A_28 = arith.constant 30 : i32
      %mul3A_29 = arith.muli %add3A_27, %mul3A_28 : i32
      %shift_right_arithmetic3A = arith.constant 3 : i32
      %shift_right_arithmetic3A_30 = arith.shrsi %mul3A_29, %shift_right_arithmetic3A : i32
      %shift_left3A = arith.constant 3 : i32
      %shift_left3A_31 = arith.shli %shift_right_arithmetic3A_30, %shift_left3A : i32
      %multiple_of3A = tpu.assume_multiple %shift_left3A_31, 8 : i32
      %sub3A = arith.subi %mul3A_29, %multiple_of3A : i32
      "tpu.region"() ({
        %run_scoped3A = tpu.sem_alloc : memref<!tpu.dma_semaphore, #tpu.memory_space<semaphore_mem>>
        %dma_start3A = tpu.memref_slice %arg2[%multiple_of3A] : memref<1440000xf32, #tpu.memory_space<hbm>> -> memref<40xf32, #tpu.memory_space<hbm>>
        %dma_start3A_55 = tpu.memref_slice %arg2[%multiple_of3A] : memref<1440000xf32, #tpu.memory_space<hbm>> -> memref<40xf32, #tpu.memory_space<hbm>>
        tpu.enqueue_dma source(%dma_start3A_55 : memref<40xf32, #tpu.memory_space<hbm>>) target(%arg8 : memref<40xf32, #tpu.memory_space<vmem>>) target_semaphore(%run_scoped3A : memref<!tpu.dma_semaphore, #tpu.memory_space<semaphore_mem>>)
        %dma_wait3A = tpu.memref_slice %arg2[%multiple_of3A] : memref<1440000xf32, #tpu.memory_space<hbm>> -> memref<40xf32, #tpu.memory_space<hbm>>
        %dma_wait3A_56 = tpu.memref_slice %arg2[%multiple_of3A] : memref<1440000xf32, #tpu.memory_space<hbm>> -> memref<40xf32, #tpu.memory_space<hbm>>
        tpu.wait_dma2 semaphore(%run_scoped3A : memref<!tpu.dma_semaphore, #tpu.memory_space<semaphore_mem>>) src(%dma_wait3A_56 : memref<40xf32, #tpu.memory_space<hbm>>) dst(%arg8 : memref<40xf32, #tpu.memory_space<vmem>>)
        tpu.yield
      }) : () -> ()
      %broadcast_in_dim3A_32 = vector.broadcast %sub3A : i32 to vector<16xi32>
      %add3A_33 = arith.addi %broadcast_in_dim3A_32, %iota3A : vector<16xi32>
      %gather3A_34 = tpu.vector_load_idx %arg8[%add3A_33] : memref<40xf32, #tpu.memory_space<vmem>>[vector<16xi32>], vector<16xf32>,
      %add3A_35 = arith.constant 16 : i32
      %add3A_36 = vector.broadcast %add3A_35 : i32 to vector<16xi32>
      %add3A_37 = arith.addi %iota3A, %add3A_36 : vector<16xi32>
      %min3A = arith.constant 29 : i32
      %min3A_38 = vector.broadcast %min3A : i32 to vector<16xi32>
      %min3A_39 = arith.minsi %add3A_37, %min3A_38 : vector<16xi32>
      %add3A_40 = arith.addi %broadcast_in_dim3A_32, %min3A_39 : vector<16xi32>
      %gather3A_41 = tpu.vector_load_idx %arg8[%add3A_40] : memref<40xf32, #tpu.memory_space<vmem>>[vector<16xi32>], vector<16xf32>,
      %eq3A_42 = arith.constant 14 : i32
      %eq3A_43 = vector.broadcast %eq3A_42 : i32 to vector<16xi32>
      %eq3A_44 = arith.cmpi eq, %iota3A, %eq3A_43 : vector<16xi32>
      %broadcast_in_dim3A_45 = vector.broadcast %select_n3A : f32 to vector<16xf32>
      %select_n3A_46 = arith.select %eq3A_44, %broadcast_in_dim3A_45, %gather3A_41 : vector<16xi1>, vector<16xf32>
      %eq3A_47 = arith.constant 15 : i32
      %eq3A_48 = vector.broadcast %eq3A_47 : i32 to vector<16xi32>
      %eq3A_49 = arith.cmpi eq, %iota3A, %eq3A_48 : vector<16xi32>
      %broadcast_in_dim3A_50 = vector.broadcast %select_n3A_16 : f32 to vector<16xf32>
      %select_n3A_51 = arith.select %eq3A_49, %broadcast_in_dim3A_50, %select_n3A_46 : vector<16xi1>, vector<16xf32>
      %swap3A = arith.constant 0 : index
      %swap3A_52 = tpu.vector_load %arg9[%swap3A] {strides = array<i32>} : memref<32xf32, #tpu.memory_space<vmem>>, vector<16xf32>,
      tpu.vector_store %arg9[%swap3A], %gather3A_34 {strides = array<i32>} : memref<32xf32, #tpu.memory_space<vmem>>, vector<16xf32>,
      %swap3A_53 = arith.constant 16 : index
      %swap3A_54 = tpu.vector_load %arg9[%swap3A_53] {strides = array<i32>} : memref<32xf32, #tpu.memory_space<vmem>>, vector<16xf32>,
      tpu.vector_store %arg9[%swap3A_53], %select_n3A_51 {strides = array<i32>} : memref<32xf32, #tpu.memory_space<vmem>>, vector<16xf32>,
      "tpu.region"() ({
        %run_scoped3A = tpu.sem_alloc : memref<!tpu.dma_semaphore, #tpu.memory_space<semaphore_mem>>
        %dma_start3A = arith.constant 0 : i32
        %dma_start3A_55 = tpu.memref_slice %arg5[%arg1, %dma_start3A] : memref<16x32xf32, #tpu.memory_space<hbm>> -> memref<1x32xf32, #tpu.memory_space<hbm>>
        %dma_start3A_56 = tpu.memref_squeeze %dma_start3A_55 : memref<1x32xf32, #tpu.memory_space<hbm>> -> memref<32xf32, #tpu.memory_space<hbm>>
        %dma_start3A_57 = arith.constant 0 : i32
        %dma_start3A_58 = tpu.memref_slice %arg5[%arg1, %dma_start3A_57] : memref<16x32xf32, #tpu.memory_space<hbm>> -> memref<1x32xf32, #tpu.memory_space<hbm>>
        %dma_start3A_59 = tpu.memref_squeeze %dma_start3A_58 : memref<1x32xf32, #tpu.memory_space<hbm>> -> memref<32xf32, #tpu.memory_space<hbm>>
        tpu.enqueue_dma source(%arg9 : memref<32xf32, #tpu.memory_space<vmem>>) target(%dma_start3A_59 : memref<32xf32, #tpu.memory_space<hbm>>) target_semaphore(%run_scoped3A : memref<!tpu.dma_semaphore, #tpu.memory_space<semaphore_mem>>)
        %dma_wait3A = arith.constant 0 : i32
        %dma_wait3A_60 = tpu.memref_slice %arg5[%arg1, %dma_wait3A] : memref<16x32xf32, #tpu.memory_space<hbm>> -> memref<1x32xf32, #tpu.memory_space<hbm>>
        %dma_wait3A_61 = tpu.memref_squeeze %dma_wait3A_60 : memref<1x32xf32, #tpu.memory_space<hbm>> -> memref<32xf32, #tpu.memory_space<hbm>>
        %dma_wait3A_62 = arith.constant 0 : i32
        %dma_wait3A_63 = tpu.memref_slice %arg5[%arg1, %dma_wait3A_62] : memref<16x32xf32, #tpu.memory_space<hbm>> -> memref<1x32xf32, #tpu.memory_space<hbm>>
        %dma_wait3A_64 = tpu.memref_squeeze %dma_wait3A_63 : memref<1x32xf32, #tpu.memory_space<hbm>> -> memref<32xf32, #tpu.memory_space<hbm>>
        tpu.wait_dma2 semaphore(%run_scoped3A : memref<!tpu.dma_semaphore, #tpu.memory_space<semaphore_mem>>) src(%arg9 : memref<32xf32, #tpu.memory_space<vmem>>) dst(%dma_wait3A_64 : memref<32xf32, #tpu.memory_space<hbm>>)
        tpu.yield
      }) : () -> ()
    } else {
    }
    return
  }
}

</mosaic_0001>

<sc_bundles>
// kernel: kernel.4.cloned.1.call-start
scs
__scs_entry_jumppad:
0x0: {  	(pc) =	sbr.rel $0x88, $3  }
0x1: {  	(tag) =	ssettag $0x0;
	lr =	simm.s32 $0x1  }
0x2: {  	[smem:$0x3F9A] =	sst lr;
	_ =	strace $0xD0000000  }
0x3: {  	_ = 	snop  }
0x4: {  	_ = 	snop  }
0x5: {  	_ = 	snop  }
0x6: {  	_ = 	snop  }
0x7: {  	_ = 	snop  }
__scs_overlays_trampoline_lowered:
0x8: {  	[smem:$0x3FA9] =	sst s0  }
0x9: {  	[smem:$0x3FAA] =	sst s1  }
0xa: {  	[smem:$0x3FAB] =	sst s2  }
0xb: {  	[smem:$0x3FAC] =	sst s3  }
0xc: {  	[smem:$0x3FAD] =	sst s4  }
0xd: {  	[smem:$0x3FAE] =	sst s5  }
0xe: {  	[smem:$0x3FAF] =	sst s6  }
0xf: {  	[smem:$0x3FB0] =	sst s7  }
0x10: {  	[smem:$0x3FB1] =	sst s8  }
0x11: {  	[smem:$0x3FB2] =	sst s9;
	s0 =	simm.s32 @!p0 $0x0  }
0x12: {  	s1 =	sld [smem:$0x3F98];
	s0 =	simm.s32 @p0 $0x1  }
0x13: {  	[smem:$0x3FB3] =	sst s0;
	s0 =	simm.s32 @!p1 $0x0  }
0x14: {  	s2 =	sld [smem:$0x3F97];
	s0 =	simm.s32 @p1 $0x1  }
0x15: {  	[smem:$0x3FB4] =	sst s0;
	s0 =	simm.s32 @!p2 $0x0  }
0x16: {  	s3 =	sld [smem:$0x3FDB];
	s0 =	simm.s32 @p2 $0x1  }
0x17: {  	s4 =	simm.s32 $0x1BF5;
	[smem:$0x3FB6] =	sst s0  }
0x18: {  	s0 =	sld [smem:$0x3F99];
	_ =	swait.ge [sflag:s4], $0x0  }
0x19: {  	s7 =	sld [smem:$0x3F9A]  }
0x1a: {  	s8 =	sadd.s32 $0xFFFFE003, lr  }
0x1b: {  	s9 =	sadd.s32 $0xFFFFFEF7, lr;
	s5 =	simm.s32 $0xFFFFFFFF;
	p2 =	slt.u32 s8, $0xFFFFF086  }
0x1c: {  	p1 =	slt.u32 s9, $0xF7A;
	s5 =	simm.s32 @!p2 $0x0  }
0x1d: {  	s5 =	simm.s32 @p1 $0x1;
	p0 =	seq.s32 s7, s2  }
0x1e: {  	s7 =	smul.u32 @!p0 $0xF7A, s2;
	p2 =	seq.s32 @!p0 s5, $0x0  }
0x1f: {  	s9 =	smul.u32 $0xF7A, s1;
	s8 =	simm.s32 @!p0 $0x1BF5;
	p2 =	por !p2, p0  }
0x20: {  	[sflag:s8] =	ssyncset.s32 @!p0 $0xFFFFF086;
	s6 =	sadd.s32 @!p0 s3, s7;
	s7 =	simm.s32 @!p0 $0x108  }
0x21: {  	s3 =	sadd.s32 s3, s9;
	s6 =	sadd.s32 @!p0 $0x88, s6;
	s7 =	simm.s32 @p2 $0x1082  }
0x22: {  	[simem:s7], [sflag:s8] =	dma.local @!p0 [hbm:s6], $0xF7A  }
0x23: {  	s9 =	sor.u32 $0xD0000000, s2;
	s6 =	simm.s32 $0x108;
	_ =	swait.ge @!p0 [sflag:s8], $0x0  }
0x24: {  	s3 =	sadd.s32 $0x88, s3;
	s6 =	simm.s32 @!p1 $0x1082;
	[sflag:s4] =	ssyncset.s32 $0xFFFFF086  }
0x25: {  	[simem:s6], [sflag:s4] =	dma.local [hbm:s3], $0xF7A  }
0x26: {  	[smem:$0x3F9A] =	sst s1;
	(tag) =	ssettag s2;
	_ =	strace s9  }
0x27: {  	s1 =	sld [smem:$0x3FAA]  }
0x28: {  	s2 =	sld [smem:$0x3FAB]  }
0x29: {  	s4 =	sld [smem:$0x3FAD]  }
0x2a: {  	p0 =	seq.s32 s5, $0x0;
	s5 =	sld [smem:$0x3FAE]  }
0x2b: {  	s6 =	sld [smem:$0x3FAF]  }
0x2c: {  	s7 =	sld [smem:$0x3FB0]  }
0x2d: {  	s3 =	simm.s32 $0x108;
	s8 =	sld [smem:$0x3FB1]  }
0x2e: {  	s3 =	simm.s32 @!p0 $0x1082;
	s9 =	sld [smem:$0x3FB2]  }
0x2f: {  	lr =	sadd.s32 s0, s3;
	s0 =	sld [smem:$0x3FA9]  }
0x30: {  	s3 =	sld [smem:$0x3FAC]  }
0x31: {  	[smem:$0x3FB5] =	sst s10  }
0x32: {  	s10 =	sld [smem:$0x3FB3];
	_ =	sdelay $0x3  }
0x33: {  	p0 =	seq.s32 s10, $0x1;
	s10 =	sld [smem:$0x3FB5];
	_ =	sdelay $0x3  }
0x34: {  	[smem:$0x3FB5] =	sst s10  }
0x35: {  	s10 =	sld [smem:$0x3FB4];
	_ =	sdelay $0x3  }
0x36: {  	p1 =	seq.s32 s10, $0x1;
	s10 =	sld [smem:$0x3FB5];
	_ =	sdelay $0x3  }
0x37: {  	[smem:$0x3FB5] =	sst s10  }
0x38: {  	s10 =	sld [smem:$0x3FB6]  }
0x39: {  	_ = 	snop;
	(pc) =	sbr.ind lr, $3  }
0x3a: {  	_ = 	snop  }
0x3b: {  	_ = 	snop  }
0x3c: {  	p2 =	seq.s32 s10, $0x1;
	s10 =	sld [smem:$0x3FB5]  }
0x3d: {  	_ =	shalt  }
0x3e: {  	_ =	shalt  }
0x3f: {  	_ =	shalt  }
0x40: {  	_ =	shalt  }
0x41: {  	_ =	shalt  }
0x42: {  	_ =	shalt  }
0x43: {  	_ =	shalt  }
0x44: {  	_ =	shalt  }
0x45: {  	_ =	shalt  }
0x46: {  	_ =	shalt  }
0x47: {  	_ =	shalt  }
0x48: {  	_ =	shalt  }
0x49: {  	_ =	shalt  }
0x4a: {  	_ =	shalt  }
0x4b: {  	_ =	shalt  }
0x4c: {  	_ =	shalt  }
0x4d: {  	_ =	shalt  }
0x4e: {  	_ =	shalt  }
0x4f: {  	_ =	shalt  }
0x50: {  	_ =	shalt  }
0x51: {  	_ =	shalt  }
0x52: {  	_ =	shalt  }
0x53: {  	_ =	shalt  }
0x54: {  	_ =	shalt  }
0x55: {  	_ =	shalt  }
0x56: {  	_ =	shalt  }
0x57: {  	_ =	shalt  }
0x58: {  	_ =	shalt  }
0x59: {  	_ =	shalt  }
0x5a: {  	_ =	shalt  }
0x5b: {  	_ =	shalt  }
0x5c: {  	_ =	shalt  }
0x5d: {  	_ =	shalt  }
0x5e: {  	_ =	shalt  }
0x5f: {  	_ =	shalt  }
0x60: {  	_ =	shalt  }
0x61: {  	_ =	shalt  }
0x62: {  	_ =	shalt  }
0x63: {  	_ =	shalt  }
0x64: {  	_ =	shalt  }
0x65: {  	_ =	shalt  }
0x66: {  	_ =	shalt  }
0x67: {  	_ =	shalt  }
0x68: {  	_ =	shalt  }
0x69: {  	_ =	shalt  }
0x6a: {  	_ =	shalt  }
0x6b: {  	_ =	shalt  }
0x6c: {  	_ =	shalt  }
0x6d: {  	_ =	shalt  }
0x6e: {  	_ =	shalt  }
0x6f: {  	_ =	shalt  }
0x70: {  	_ =	shalt  }
0x71: {  	_ =	shalt  }
0x72: {  	_ =	shalt  }
0x73: {  	_ =	shalt  }
0x74: {  	_ =	shalt  }
0x75: {  	_ =	shalt  }
0x76: {  	_ =	shalt  }
0x77: {  	_ =	shalt  }
0x78: {  	_ =	shalt  }
0x79: {  	_ =	shalt  }
0x7a: {  	_ =	shalt  }
0x7b: {  	_ =	shalt  }
0x7c: {  	_ =	shalt  }
0x7d: {  	_ =	shalt  }
0x7e: {  	_ =	shalt  }
0x7f: {  	_ =	shalt  }
0x80: {  	_ =	shalt  }
0x81: {  	_ =	shalt  }
0x82: {  	_ =	shalt  }
0x83: {  	_ =	shalt  }
0x84: {  	_ =	shalt  }
0x85: {  	_ =	shalt  }
0x86: {  	_ =	shalt  }
0x87: {  	_ =	shalt  }
.Lfunc_end0:
.L_simem_size_0:
called_computation_lowered:
.L_overlay_start_0:
0x88: {  	s2 =	sld [smem:$0x3FD9]  }
0x89: {  	s3 =	sld [smem:$0x3FFE];
	_ =	sdelay $0x1  }
0x8a: {  	s1 =	srdreg.scid  }
0x8b: {  	s0 =	sand.u32 $0x1, s1  }
0x8c: {  	s17 =	sshll.u32 s0, $0xA;
	s2 =	sadd.s32 s3, s2  }
0x8d: {  	s2 =	sadd.s32 s2, s17  }
0x8e: {  	[smem:$0x3FC1] =	sst s2  }
0x8f: {  	_ = 	snop  }
0x90: {  	s2 =	sld [smem:$0x3FC5]  }
0x91: {  	s18 =	sld [smem:$0x3FD0];
	(tm) =	ssettm $0x1  }
0x92: {  	s4 =	sld [smem:$0x3FFB];
	_ =	sdelay $0x3  }
0x93: {  	_ =	strace s4  }
0x94: {  	s4 =	sld [smem:$0x3FFC];
	_ =	sdelay $0x3  }
0x95: {  	_ =	strace s4  }
0x96: {  	s4 =	sld [smem:$0x3FFD];
	_ =	sdelay $0x3  }
0x97: {  	_ =	strace s4  }
0x98: {  	_ =	strace $0x8FFFFFFF  }
0x99: {  	s19 =	sld [smem:$0x3FDB];
	_ =	sdelay $0x1  }
0x9a: {  	s5 =	simm.s32 $_scs_section_size  }
0x9b: {  	s6 =	simm.s32 $_size__tile_overlayer_lowered;
	s7 =	simm.s32 $_tile_overlayer_lowered  }
0x9c: {  	s22 =	simm.s32 $0x1BFF;
	s21 =	sshll.u32 s7, $0x1;
	s4 =	sadd.s32 s5, s19  }
0x9d: {  	s8 =	simm.s32 $0x0;
	s20 =	sshll.u32 s6, $0x1;
	s6 =	sadd.s32 s21, s4  }
0x9e: {  	[timem:s8], [sflag:s22] =	dma.local [hbm:s6], s20  }
0x9f: {  	_ =	swait.ge [sflag:s22], s20  }
0xa0: {  	s5 =	ssub.s32 $0x0, s20;
	[sflag:s22] =	ssyncset.done $0x0  }
0xa1: {  	[sflag:s22] =	ssyncadd.s32 s5;
	_ =	sdelay $0x1  }
0xa2: {  	s23 =	simm.s32 $0x1B8B  }
0xa3: {  	_ =	swait.ge [sflag:s23], $0x1  }
0xa4: {  	[sflag:s23] =	ssyncset.done $0x0  }
0xa5: {  	s25 =	simm.s32 $0x1B8E;
	s24 =	sld [smem:$0x3FFE];
	[sflag:s23] =	ssyncadd.s32 $0xFFFFFFFF  }
0xa6: {  	s26 =	simm.s32 $execute0_lowered;
	[smem:$0x3FD2] =	sst s25  }
0xa7: {  	s6 =	sshll.u32 s26, $0x1;
	_ =	strace $0x80000046;
	[dreg:$0x1] =	wrdreg $0xFFFFFFFF  }
0xa8: {  	s28 =	simm.s32 $_size_execute0_lowered;
	s4 =	sadd.s32 s4, s6;
	[dreg:$0x0] =	wrdreg $0x0  }
0xa9: {  	s6 =	sshll.u32 s28, $0x1;
	[dreg:$0x2] =	wrdreg s4  }
0xaa: {  	[dreg:$0x3] =	wrdreg s6  }
0xab: {  	[dreg:$0x4] =	wrdreg $0xC0  }
0xac: {  	_ =	task [dreg:s8], $0x5FFFF  }
0xad: {  	[dreg:$0x1] =	wrdreg $0xFFFFFFFF  }
0xae: {  	[dreg:$0x0] =	wrdreg $0x60  }
0xaf: {  	[dreg:$0x2] =	wrdreg s24  }
0xb0: {  	[dreg:$0x3] =	wrdreg s2  }
0xb1: {  	[dreg:$0x4] =	wrdreg s18  }
0xb2: {  	[dreg:$0x5] =	wrdreg $0x9  }
0xb3: {  	_ =	task.clear_ibuf [dreg:s8], $0x6FFFF;
	_ =	strace $0x90000046  }
0xb4: {  	s29 =	simm.s32 $0x9;
	_ =	strace $0x80000048  }
0xb5: {  	_ =	swait.ge [sflag:s29], $0x1  }
0xb6: {  	[sflag:s29] =	ssyncadd.s32 $0xFFFFFFFF  }
0xb7: {  	_ =	strace $0x90000048  }
0xb8: {  	_ =	sfence  }
0xb9: {  	s30 =	sld [smem:$0x0];
	_ =	sdelay $0x2  }
0xba: {  	s31 =	sshll.u32 s1, $0xD;
	s1 =	sshrl.u32 s1, $0x2  }
0xbb: {  	s3 =	sand.u32 $0x4000, s31;
	s1 =	sadd.s32 s1, s30  }
0xbc: {  	s0 =	sor.u32 s3, s0;
	s1 =	sshll.u32 s1, $0x11  }
0xbd: {  	s0 =	sor.u32 s1, s0  }
0xbe: {  	s0 =	sadd.s32 $0x8F2B, s0  }
0xbf: {  	[sflag:s0] =	ssyncadd.remote.s32 $0x1  }
0xc0: {  	_ =	sfence.sel $0xFFFF  }
0xc1: {  	[dreg:$0x0] =	wrdreg $0xFFFFFFFF;
	(pc) =	sbr.abs _section_cstart, $3  }
0xc2: {  	[dreg:$0x1] =	wrdreg $0xFFFFFFFF  }
0xc3: {  	_ =	task.clear_ibuf [dreg:s8], $0x2FFFF;
	_ =	strace $0x9FFFFFFF  }
0xc4: {  	(tm) =	ssettm $0x7FFFFFFF  }
0xc5: {  	_ =	shalt  }
tec
execute0_lowered:
.L_overlay_start_1:
0x0: {  	(tag) =	ssettag $0x1  }
0x1: {  	s0 =	rddreg [dreg:$0x0];
	s3 =	simm.s32 $0x0  }
0x2: {  	s24 =	srdreg.scid;
	s4 =	stileid.u32;
	s14 =	simm.s32 $0xCF00  }
0x3: {  	s15 =	simm.s32 $0x5;
	s16 =	simm.s32 $0xCF80;
	s17 =	simm.s32 $0x1400  }
0x4: {  	s18 =	simm.s32 $0x3B00;
	s28 =	simm.s32 $0x3;
	s29 =	simm.s32 $0x4  }
0x5: {  	s31 =	simm.s32 $0x0;
	[smem:$0x7FF] =	sst s3;
	s1 =	sadd.s32 $0xBB8C00, s0  }
0x6: {  	s6 =	sadd.s32 $0xC00, s0;
	s7 =	sadd.s32 $0xFAC00, s0;
	s8 =	sadd.s32 $0xC4200, s0  }
0x7: {  	_ =	strace $0x80000047;
	[dreg:$0x4] =	wrdreg s1;
	s1 =	sand.u32 $0x1, s24  }
0x8: {  	s2 =	sand.u32 $0x1, s4;
	s9 =	sshrl.u32 s4, $0x1;
	s5 =	sshll.u32 s1, $0x3  }
0x9: {  	s10 =	sshll.u32 s2, $0x1;
	s5 =	sor.u32 s9, s5;
	s9 =	smul.u32 $0x1F4, s2  }
0xa: {  	s0 =	sadd.s32 s10, s0;
	s1 =	ssub.s32 $0x2, s1;
	s25 =	smul.u32 $0xBB8, s5  }
0xb: {  	v6 =	vlaneseq.u32;
	vm0 =	vcmask $0x300;
	vm1 =	vcmask $0x704;
	s26 =	sshrl.u32 s1, $0x1;
	s19 =	smul.u32 $0x13880, s5;
	s11 =	sshll.u32 s5, $0x2  }
0xc: {  	vm2 =	vcmask $0xB08;
	s1 =	ssub.s32 s1, s26;
	v0 =	vmov s5;
	s26 =	simm.s32 $0x2;
	s0 =	sadd.s32 s11, s0;
	v4 =	vmov s9  }
0xd: {  	s11 =	smul.u32 $0x61A80, s5;
	s13 =	smax.u32 s1, $0x1;
	v3 =	vshll.u32 v0, $0x1;
	s30 =	sadd.s32 $0x9C40, s19;
	v1 =	vmov s19;
	v5 =	vor.u32 $0x80000000, v4  }
0xe: {  	s10 =	sadd.s32 s9, s25;
	s12 =	sadd.s32 $0xEB400, s0;
	v4 =	vor.u32 $0x1, v3;
	s25 =	simm.s32 $0x1;
	v2 =	vmov s30;
	v5 =	vbroadcast v5, $0x0  }
.LBB2_1:
0xf: {  	s0 =	rddreg [dreg:$0x1]  }
0x10: {  	[tilespmem:s14], [sflag:$0x5] =	stream.linear.gather [hbm4b:s0+s3], $0x80, $0x38;
	[tilespmem:$0xD080] =	vst v63  }
0x11: {  	_ =	swait.ge [sflag:s15], $0x80  }
0x12: {  	[sflag:s15] =	ssyncset.done $0x0  }
0x13: {  	[sflag:s15] =	ssyncadd.s32 $0xFFFFFF80  }
0x14: {  	s24 =	rddreg [dreg:$0x2]  }
0x15: {  	[tilespmem:s16], [sflag:$0x5] =	stream.linear.gather [hbm4b:s24+s3], $0x80, $0x38;
	[tilespmem:$0xD080] =	vst v63  }
0x16: {  	_ =	swait.ge [sflag:s15], $0x80  }
0x17: {  	[sflag:s15] =	ssyncset.done $0x0  }
0x18: {  	[sflag:s15] =	ssyncadd.s32 $0xFFFFFF80  }
0x19: {  	v7 =	vld.idx.msk [tilespmem:v0+s14+$0x0], $0xffff;
	_ =	sdelay $0x4  }
0x1a: {  	(v2sf) =	vpush v7, $0x0;
	_ =	sdelay $0xe  }
0x1b: {  	s30 =	spop (v2sf)  }
0x1c: {  	s0 =	smul.u32 $0x3E8, s30;
	_ =	sdelay $0x1  }
0x1d: {  	s0 =	sadd.s32 s0, s10  }
0x1e: {  	s0 =	smul.u32 $0x1E, s0;
	_ =	sdelay $0x1  }
0x1f: {  	s1 =	rddreg [dreg:$0x4];
	s0 =	sshrl.u32 s0, $0x3  }
0x20: {  	s0 =	sadd.s32 s1, s0  }
0x21: {  	[tilespmem:s3], [sflag:$0x5] =	stream.linear.gather [hbm4b:s0+s3], $0x3A98, $0x38;
	[tilespmem:$0xD080] =	vst v63  }
0x22: {  	_ =	swait.ge [sflag:s15], $0x3A98  }
0x23: {  	s22 =	simm.s32 $0x4F00;
	s23 =	simm.s32 $0x3B00;
	[sflag:s15] =	ssyncset.done $0x0  }
0x24: {  	s2 =	simm.s32 $0x0;
	s0 =	simm.s32 $0x6300;
	[sflag:s15] =	ssyncadd.s32 $0xFFFFC568  }
.LBB2_2:
0x25: {  	s1 =	simm.s32 $0x0  }
0x26: {  	v7 =	vor.u32 s1, v6  }
0x27: {  	s21 =	smul.u32 $0x3, s2;
	vm3 =	vlt.s32 v7, $0x1F3  }
0x28: {  	v8 =	vnsel vm3, $0x1F3, v7  }
0x29: {  	v7 =	vmov s21;
	v9 =	vmul.u32 $0x1E, v8  }
0x2a: {  	v8 =	vadd.s32 $0x1, v7  }
0x2b: {  	v10 =	vadd.s32 v8, v9;
	_ =	sdelay $0x1  }
0x2c: {  	v9 =	vadd.s32 v7, v9;
	_ =	sdelay $0x2  }
0x2d: {  	v10 =	vld.idx.msk [tilespmem:v10+s3+$0x0], $0xffff;
	_ =	sdelay $0x1  }
0x2e: {  	v13 =	vld.idx.msk [tilespmem:v9+s3+$0x0], $0xffff;
	_ =	sdelay $0x2  }
0x2f: {  	v9 =	vmul.f32 $2.000000000e+02, v10;
	_ =	sdelay $0x1  }
0x30: {  	v11 =	vmul.f32 $2.000000000e+02, v13;
	v9 =	vtrunc.f32 v9  }
0x31: {  	v9 =	vcvt.f32.s32 v9  }
0x32: {  	v11 =	vtrunc.f32 v11  }
0x33: {  	v11 =	vcvt.f32.s32 v11;
	vm3 =	vgt.s32 v9, $0x0  }
0x34: {  	v9 =	vnsel vm3, $0x0, v9  }
0x35: {  	s24 =	smul.u32 $0x9C40, s2;
	s5 =	simm.s32 $0x10;
	vm3 =	vgt.s32 v11, $0x0;
	v9 =	vmin.u32 v9, $0xC7  }
0x36: {  	v14 =	vor.u32 s5, v6;
	v11 =	vnsel vm3, $0x0, v11;
	v12 =	vmul.u32 $0xC8, v9  }
0x37: {  	s1 =	sadd.s32 s11, s24;
	vm3 =	vlt.s32 v14, $0x1F3;
	v11 =	vmin.u32 v11, $0xC7  }
0x38: {  	v9 =	vmov s1;
	v14 =	vnsel vm3, $0x1F3, v14;
	v11 =	vadd.s32 v11, v12  }
0x39: {  	v14 =	vmul.u32 $0x1E, v14;
	v12 =	vadd.s32 v9, v11  }
0x3a: {  	[tilespmem:s23+$0x0] =	vst v12;
	v12 =	vadd.s32 v1, v11  }
0x3b: {  	s30 =	simm.s32 $0xC900;
	p0 =	sne.s32 s2, $0x9;
	s20 =	simm.s32 $0xC710;
	v11 =	vadd.s32 v2, v11;
	[tilespmem:s22+$0x0] =	vst v12;
	v12 =	vadd.s32 v8, v14  }
0x3c: {  	s19 =	simm.s32 $0xC910;
	s5 =	smov.u32 s23;
	s1 =	simm.s32 $0xC700;
	[tilespmem:s0+$0x0] =	vst v11  }
0x3d: {  	s24 =	simm.s32 $0x20;
	s21 =	sadd.s32 $0x10, s0;
	v11 =	vadd.s32 v7, v14;
	[tilespmem:s1+$0x0] =	vst @!p0 v13;
	s1 =	smov.u32 s22  }
.LBB2_3:
0x3e: {  	s5 =	sadd.s32 $0x10, s5;
	s1 =	sadd.s32 $0x10, s1  }
0x3f: {  	[tilespmem:s30+$0x0] =	vst @!p0 v10;
	s4 =	smov.u32 s24;
	s24 =	sadd.s32 $0x10, s24;
	s30 =	smov.u32 s19  }
0x40: {  	p1 =	sne.s32 s24, $0x200;
	v10 =	vld.idx.msk [tilespmem:v12+s3+$0x0], $0xffff;
	_ =	sdelay $0x1  }
0x41: {  	v13 =	vld.idx.msk [tilespmem:v11+s3+$0x0], $0xffff;
	_ =	sdelay $0x3  }
0x42: {  	v11 =	vmul.f32 $2.000000000e+02, v10;
	_ =	sdelay $0x1  }
0x43: {  	v12 =	vmul.f32 $2.000000000e+02, v13;
	v11 =	vtrunc.f32 v11  }
0x44: {  	v11 =	vcvt.f32.s32 v11  }
0x45: {  	v12 =	vtrunc.f32 v12  }
0x46: {  	v12 =	vcvt.f32.s32 v12;
	vm3 =	vgt.s32 v11, $0x0  }
0x47: {  	v11 =	vnsel vm3, $0x0, v11  }
0x48: {  	v14 =	vor.u32 s4, v6;
	vm3 =	vgt.s32 v12, $0x0;
	v11 =	vmin.u32 v11, $0xC7  }
0x49: {  	vm4 =	vlt.s32 v14, $0x1F3;
	v12 =	vnsel vm3, $0x0, v12;
	v11 =	vmul.u32 $0xC8, v11  }
0x4a: {  	v14 =	vnsel vm4, $0x1F3, v14;
	v12 =	vmin.u32 v12, $0xC7  }
0x4b: {  	v14 =	vmul.u32 $0x1E, v14;
	v15 =	vadd.s32 v12, v11  }
.Ltmp0:
0x4c: {  	v16 =	vadd.s32 v9, v15;
	(pc) =	sbr.rel @p1 .LBB2_3-.Ltmp0, $4  }
0x4d: {  	v11 =	vadd.s32 v7, v14;
	v12 =	vadd.s32 v8, v14;
	v14 =	vadd.s32 v1, v15;
	[tilespmem:s5+$0x0] =	vst v16  }
0x4e: {  	[tilespmem:s1+$0x0] =	vst v14;
	v14 =	vadd.s32 v2, v15  }
0x4f: {  	[tilespmem:s21+$0x0] =	vst v14  }
0x50: {  	s19 =	sadd.s32 $0x10, s19;
	s21 =	sadd.s32 $0x10, s21;
	[tilespmem:s20+$0x0] =	vst @!p0 v13;
	s20 =	sadd.s32 $0x10, s20  }
0x51: {  	_ =	sdelay $0x2  }
0x52: {  	[tilespmem:s30+$0x0] =	vst @!p0 v10  }
0x53: {  	v7 =	vld.idx.msk [tilespmem:v12+s3+$0x0], $0xffff;
	_ =	sdelay $0x1  }
0x54: {  	v8 =	vld.idx.msk [tilespmem:v11+s3+$0x0], $0xffff;
	_ =	sdelay $0x2  }
0x55: {  	v61 =	vmul.f32 $2.000000000e+02, v7;
	_ =	sdelay $0x1  }
0x56: {  	v11 =	vmul.f32 $2.000000000e+02, v8;
	v10 =	vtrunc.f32 v61  }
0x57: {  	v10 =	vcvt.f32.s32 v10  }
0x58: {  	v11 =	vtrunc.f32 v11  }
0x59: {  	v11 =	vcvt.f32.s32 v11;
	vm3 =	vgt.s32 v10, $0x0  }
0x5a: {  	v10 =	vnsel vm3, $0x0, v10  }
0x5b: {  	vm3 =	vgt.s32 v11, $0x0;
	v10 =	vmin.u32 v10, $0xC7  }
0x5c: {  	v11 =	vnsel vm3, $0x0, v11;
	v10 =	vmul.u32 $0xC8, v10  }
0x5d: {  	v11 =	vmin.u32 v11, $0xC7  }
0x5e: {  	s2 =	sadd.s32 $0x1, s2;
	v10 =	vadd.s32 v11, v10  }
0x5f: {  	s4 =	sadd.s32 $0x10, s5;
	p1 =	sne.s32 s2, $0xA;
	v9 =	vadd.s32 v9, v10  }
.Ltmp1:
0x60: {  	s1 =	sadd.s32 $0x10, s1;
	v62 =	vadd.s32 v1, v10;
	[tilespmem:s4+$0x0] =	vst v9;
	(pc) =	sbr.rel @p1 .LBB2_2-.Ltmp1, $4  }
0x61: {  	v63 =	vadd.s32 v2, v10;
	[tilespmem:s1+$0x0] =	vst v62  }
0x62: {  	[tilespmem:s21+$0x0] =	vst v63  }
0x63: {  	[tilespmem:s20+$0x0] =	vst @!p0 v8  }
0x64: {  	s23 =	sadd.s32 $0x200, s23;
	s22 =	sadd.s32 $0x200, s22;
	s0 =	sadd.s32 $0x200, s0;
	[tilespmem:s19+$0x0] =	vst @!p0 v7  }
0x65: {  	s0 =	simm.s32 $0x7700  }
0x66: {  	[tilespmem:s0], [sflag:$0x1] =	stream.indirect.gather [hbm4b:s6+s17], $0x1, s18, s17, $0xb8;
	[tilespmem:$0xD080] =	vst v63  }
0x67: {  	s22 =	simm.s32 $0x8B00  }
0x68: {  	[tilespmem:s22], [sflag:$0x2] =	stream.indirect.gather [hbm4b:s7+s17], $0x1, s18, s17, $0xb8;
	[tilespmem:$0xD080] =	vst v63  }
0x69: {  	s23 =	simm.s32 $0x4F00;
	s1 =	simm.s32 $0x9F00  }
0x6a: {  	[tilespmem:s1], [sflag:$0x3] =	stream.indirect.gather [hbm4b:s8+s17], $0x1, s23, s17, $0xb8;
	[tilespmem:$0xD080] =	vst v63  }
0x6b: {  	s24 =	simm.s32 $0x6300;
	s30 =	simm.s32 $0xB300  }
0x6c: {  	[tilespmem:s30], [sflag:$0x4] =	stream.indirect.gather [hbm4b:s8+s17], $0x1, s24, s17, $0xb8;
	[tilespmem:$0xD080] =	vst v63  }
0x6d: {  	_ =	swait.ge [sflag:s25], $0x1400  }
0x6e: {  	[sflag:s25] =	ssyncset.done $0x0  }
0x6f: {  	[sflag:s25] =	ssyncadd.s32 $0xFFFFEC00  }
0x70: {  	_ =	swait.ge [sflag:s26], $0x1400  }
0x71: {  	[sflag:s26] =	ssyncset.done $0x0  }
0x72: {  	[sflag:s26] =	ssyncadd.s32 $0xFFFFEC00  }
0x73: {  	_ =	swait.ge [sflag:s28], $0x1400  }
0x74: {  	[sflag:s28] =	ssyncset.done $0x0  }
0x75: {  	[sflag:s28] =	ssyncadd.s32 $0xFFFFEC00  }
0x76: {  	_ =	swait.ge [sflag:s29], $0x1400  }
0x77: {  	[sflag:s29] =	ssyncset.done $0x0  }
0x78: {  	[sflag:s29] =	ssyncadd.s32 $0xFFFFEC00  }
0x79: {  	v7 =	vld.idx.msk [tilespmem:v3+s16+$0x0], $0xffff  }
0x7a: {  	s0 =	simm.s32 $0x0;
	v14 =	vld.idx.msk [tilespmem:v4+s16+$0x0], $0xffff  }
0x7b: {  	v17 =	vld [tilespmem:s0+$0xB100]  }
0x7c: {  	v9 =	vld [tilespmem:s0+$0x8700]  }
0x7d: {  	v19 =	vld [tilespmem:s0+$0xAF00]  }
0x7e: {  	v10 =	vld [tilespmem:s0+$0x8500]  }
0x7f: {  	v18 =	vld [tilespmem:s0+$0xAD00]  }
0x80: {  	v11 =	vld [tilespmem:s0+$0x8300]  }
0x81: {  	v23 =	vld [tilespmem:s0+$0xAB00]  }
0x82: {  	v12 =	vld [tilespmem:s0+$0x8100]  }
0x83: {  	v24 =	vld [tilespmem:s0+$0xA900]  }
0x84: {  	v13 =	vld [tilespmem:s0+$0x7F00]  }
0x85: {  	v28 =	vld [tilespmem:s0+$0xA700]  }
0x86: {  	v16 =	vld [tilespmem:s0+$0x7D00]  }
0x87: {  	p1 =	por $0x0, $0x0;
	v21 =	vld [tilespmem:s0+$0xA500]  }
.Ltmp2:
0x88: {  	v20 =	vld [tilespmem:s0+$0x7B00];
	(pc) =	sbr.rel @p1 .LBB2_6-.Ltmp2, $4  }
0x89: {  	v22 =	vld [tilespmem:s0+$0xA300]  }
0x8a: {  	v27 =	vld [tilespmem:s0+$0xB300]  }
0x8b: {  	v29 =	vld [tilespmem:s0+$0xA100]  }
0x8c: {  	p0 =	por $0x0, $0x0;
	v30 =	vld [tilespmem:s0+$0x7700];
	v8 =	vbroadcast v7, $0x0;
	v7 =	vbroadcast v14, $0x0  }
0x8d: {  	v25 =	vld [tilespmem:s0+$0x8B00]  }
0x8e: {  	v14 =	vld [tilespmem:s0+$0x9F00]  }
0x8f: {  	v26 =	vld [tilespmem:s0+$0x8D00]  }
0x90: {  	v31 =	vld [tilespmem:s0+$0x8F00]  }
0x91: {  	v15 =	vld [tilespmem:s0+$0x7900]  }
0x92: {  	v19 =	vadd.f32 v19, v19;
	v32 =	vadd.f32 v17, v17  }
0x93: {  	v33 =	vld [tilespmem:s0+$0x9100];
	v23 =	vadd.f32 v23, v23;
	v18 =	vadd.f32 v18, v18;
	v17 =	vmul.f32 $5.000000000e+00, v25  }
0x94: {  	v34 =	vld [tilespmem:s0+$0xB500];
	v28 =	vadd.f32 v28, v28;
	v24 =	vadd.f32 v24, v24;
	v35 =	vmul.f32 $5.000000000e+00, v26  }
0x95: {  	v14 =	vadd.f32 v14, v14;
	v17 =	vadd.f32 v17, v30;
	v30 =	vld [tilespmem:s0+$0x9300]  }
0x96: {  	v36 =	vld [tilespmem:s0+$0xB700];
	v29 =	vadd.f32 v29, v29;
	v37 =	vmul.f32 $5.000000000e+00, v31;
	v15 =	vadd.f32 v35, v15  }
0x97: {  	v22 =	vadd.f32 v22, v22;
	v14 =	vadd.f32 v14, v17;
	v17 =	vmul.f32 $3.000000000e+00, v27;
	v27 =	vld [tilespmem:s0+$0x9500]  }
0x98: {  	v58 =	vld [tilespmem:s0+$0xB900];
	v59 =	vmul.f32 $5.000000000e+00, v33;
	v20 =	vadd.f32 v37, v20;
	v15 =	vadd.f32 v29, v15  }
0x99: {  	v38 =	vld [tilespmem:s0+$0x9700];
	v14 =	vsub.f32 v14, v17;
	v17 =	vadd.f32 v21, v21;
	v21 =	vmul.f32 $3.000000000e+00, v34  }
0x9a: {  	v16 =	vadd.f32 v59, v16;
	v29 =	vld [tilespmem:s0+$0xBB00];
	v20 =	vadd.f32 v22, v20;
	v22 =	vmul.f32 $5.000000000e+00, v30  }
0x9b: {  	v60 =	vld [tilespmem:s0+$0x9900];
	v61 =	vadd.f32 $0.0e+00, v14;
	v15 =	vsub.f32 v15, v21;
	v21 =	vmul.f32 $3.000000000e+00, v36  }
0x9c: {  	v62 =	vld [tilespmem:s0+$0xBD00];
	v16 =	vadd.f32 v17, v16;
	v13 =	vadd.f32 v22, v13;
	v17 =	vmul.f32 $5.000000000e+00, v27  }
0x9d: {  	v14 =	vld [tilespmem:s0+$0x9B00];
	v22 =	vadd.f32 v15, v61;
	v20 =	vsub.f32 v20, v21;
	v21 =	vmul.f32 $3.000000000e+00, v58  }
0x9e: {  	v63 =	vld [tilespmem:s0+$0xBF00];
	v13 =	vadd.f32 v28, v13;
	v12 =	vadd.f32 v17, v12;
	v17 =	vmul.f32 $5.000000000e+00, v38  }
0x9f: {  	v15 =	vld [tilespmem:s0+$0x9D00];
	v20 =	vadd.f32 v20, v22;
	v16 =	vsub.f32 v16, v21;
	v21 =	vmul.f32 $3.000000000e+00, v29  }
0xa0: {  	v22 =	vld [tilespmem:s0+$0xC100];
	v12 =	vadd.f32 v24, v12;
	v11 =	vadd.f32 v17, v11;
	v17 =	vmul.f32 $5.000000000e+00, v60  }
0xa1: {  	v24 =	vld [tilespmem:s0+$0x8900];
	v16 =	vadd.f32 v16, v20;
	v13 =	vsub.f32 v13, v21;
	v20 =	vmul.f32 $3.000000000e+00, v62  }
0xa2: {  	v21 =	vld [tilespmem:s0+$0xC300];
	v11 =	vadd.f32 v23, v11;
	v10 =	vadd.f32 v17, v10;
	v17 =	vmul.f32 $5.000000000e+00, v14  }
0xa3: {  	v28 =	vld [tilespmem:s0+$0xC900];
	v13 =	vadd.f32 v13, v16;
	v12 =	vsub.f32 v12, v20;
	v16 =	vmul.f32 $3.000000000e+00, v63  }
0xa4: {  	v20 =	vld [tilespmem:s0+$0xC500];
	v10 =	vadd.f32 v18, v10;
	v9 =	vadd.f32 v17, v9;
	v18 =	vmul.f32 $5.000000000e+00, v15  }
0xa5: {  	s5 =	simm.s32 $0x10;
	v23 =	vld [tilespmem:s0+$0xC700];
	v12 =	vadd.f32 v12, v13;
	v11 =	vsub.f32 v11, v16;
	v13 =	vmul.f32 $3.000000000e+00, v22  }
0xa6: {  	v17 =	vld [tilespmem:s5+$0xB100];
	v16 =	vadd.f32 v19, v9;
	v18 =	vadd.f32 v18, v24  }
0xa7: {  	v9 =	vld [tilespmem:s5+$0x8700];
	v11 =	vadd.f32 v11, v12;
	v12 =	vsub.f32 v10, v13;
	v13 =	vmul.f32 $3.000000000e+00, v21  }
0xa8: {  	v19 =	vld [tilespmem:s5+$0xAF00];
	v21 =	vadd.f32 $0.0e+00, v25;
	v22 =	vadd.f32 v32, v18  }
0xa9: {  	v24 =	vld [tilespmem:s5+$0xA900];
	v12 =	vadd.f32 v12, v11;
	v13 =	vsub.f32 v16, v13;
	v16 =	vmul.f32 $3.000000000e+00, v20  }
0xaa: {  	v10 =	vld [tilespmem:s5+$0x8500];
	v20 =	vadd.f32 v26, v21;
	v21 =	vsub.f32 v23, v8  }
0xab: {  	v18 =	vld [tilespmem:s5+$0xAD00];
	v13 =	vadd.f32 v13, v12;
	v16 =	vsub.f32 v22, v16  }
0xac: {  	v11 =	vld [tilespmem:s5+$0x8300];
	v20 =	vadd.f32 v31, v20  }
0xad: {  	v23 =	vld [tilespmem:s5+$0xAB00];
	v22 =	vsub.f32 v28, v7;
	v21 =	vmul.f32 v21, v21;
	v16 =	vadd.f32 v16, v13  }
0xae: {  	v12 =	vld [tilespmem:s5+$0x8100];
	v20 =	vadd.f32 v33, v20  }
0xaf: {  	v28 =	vld [tilespmem:s5+$0xA700];
	v22 =	vmul.f32 v22, v22;
	v21 =	vadd.f32 v21, v16  }
0xb0: {  	v13 =	vld [tilespmem:s5+$0x7F00];
	v25 =	vadd.f32 v30, v20  }
0xb1: {  	v16 =	vld [tilespmem:s5+$0x7D00];
	v22 =	vadd.f32 v22, v21  }
0xb2: {  	p1 =	por $0x0, $0x0;
	v20 =	vld [tilespmem:s5+$0x7B00];
	v25 =	vadd.f32 v27, v25  }
.Ltmp3:
0xb3: {  	v21 =	vld [tilespmem:s5+$0xA500];
	[tilespmem:s0+$0xCB00] =	vst v22;
	(pc) =	sbr.rel @p1 .LBB2_9-.Ltmp3, $4  }
0xb4: {  	v25 =	vadd.f32 v38, v25;
	v22 =	vld [tilespmem:s5+$0xA300]  }
0xb5: {  	v27 =	vld [tilespmem:s5+$0xB300]  }
0xb6: {  	v29 =	vld [tilespmem:s5+$0xA100];
	v25 =	vadd.f32 v60, v25  }
0xb7: {  	s1 =	simm.s32 $0x80;
	p0 =	por $0x1, $0x1;
	v30 =	vld [tilespmem:s5+$0x7700]  }
.LBB2_8:
0xb8: {  	p1 =	seq.s32 s1, $0x7C0;
	v31 =	vld [tilespmem:s5+$0x8B00];
	v14 =	vadd.f32 v14, v25  }
0xb9: {  	v32 =	vld [tilespmem:s5+$0x9F00]  }
0xba: {  	v33 =	vld [tilespmem:s5+$0x8D00];
	v14 =	vadd.f32 v15, v14  }
0xbb: {  	v25 =	vld [tilespmem:s5+$0x8F00]  }
0xbc: {  	v19 =	vadd.f32 v19, v19;
	v34 =	vadd.f32 v17, v17;
	v15 =	vld [tilespmem:s5+$0x7900];
	[tilespmem:s0+$0xCD00] =	vst v14;
	s0 =	smov.u32 s5  }
0xbd: {  	v17 =	vadd.f32 v23, v23;
	v18 =	vadd.f32 v18, v18;
	v14 =	vmul.f32 $5.000000000e+00, v31;
	v26 =	vld [tilespmem:s0+$0x9100]  }
0xbe: {  	v28 =	vadd.f32 v28, v28;
	v24 =	vadd.f32 v24, v24;
	v23 =	vld [tilespmem:s0+$0xB500]  }
0xbf: {  	v14 =	vadd.f32 v14, v30;
	v30 =	vadd.f32 v32, v32;
	v32 =	vmul.f32 $5.000000000e+00, v33;
	v35 =	vld [tilespmem:s0+$0x9300]  }
0xc0: {  	v21 =	vadd.f32 v21, v21;
	v29 =	vadd.f32 v29, v29;
	v36 =	vld [tilespmem:s0+$0xB700];
	v37 =	vmul.f32 $5.000000000e+00, v25  }
0xc1: {  	v27 =	vmul.f32 $3.000000000e+00, v27;
	v14 =	vadd.f32 v30, v14;
	v15 =	vadd.f32 v32, v15;
	v30 =	vld [tilespmem:s0+$0x9500]  }
0xc2: {  	v22 =	vadd.f32 v22, v22;
	v20 =	vadd.f32 v37, v20;
	v32 =	vld [tilespmem:s0+$0xB900];
	v37 =	vmul.f32 $5.000000000e+00, v26  }
0xc3: {  	v14 =	vsub.f32 v14, v27;
	v15 =	vadd.f32 v29, v15;
	v23 =	vmul.f32 $3.000000000e+00, v23;
	v27 =	vld [tilespmem:s0+$0x9700]  }
0xc4: {  	v20 =	vadd.f32 v22, v20;
	v16 =	vadd.f32 v37, v16;
	v22 =	vld [tilespmem:s0+$0xBB00];
	v29 =	vmul.f32 $5.000000000e+00, v35  }
0xc5: {  	v14 =	vadd.f32 $0.0e+00, v14;
	v15 =	vsub.f32 v15, v23;
	v23 =	vmul.f32 $3.000000000e+00, v36;
	v36 =	vld [tilespmem:s0+$0x9900]  }
0xc6: {  	v16 =	vadd.f32 v21, v16;
	v13 =	vadd.f32 v29, v13;
	v21 =	vld [tilespmem:s0+$0xBD00];
	v29 =	vmul.f32 $5.000000000e+00, v30  }
0xc7: {  	v15 =	vadd.f32 v15, v14;
	v20 =	vsub.f32 v20, v23;
	v23 =	vmul.f32 $3.000000000e+00, v32;
	v14 =	vld [tilespmem:s0+$0x9B00]  }
0xc8: {  	v13 =	vadd.f32 v28, v13;
	v12 =	vadd.f32 v29, v12;
	v28 =	vld [tilespmem:s0+$0xBF00];
	v29 =	vmul.f32 $5.000000000e+00, v27  }
0xc9: {  	v20 =	vadd.f32 v20, v15;
	v16 =	vsub.f32 v16, v23;
	v22 =	vmul.f32 $3.000000000e+00, v22;
	v15 =	vld [tilespmem:s0+$0x9D00]  }
0xca: {  	v12 =	vadd.f32 v24, v12;
	v11 =	vadd.f32 v29, v11;
	v23 =	vld [tilespmem:s0+$0xC100];
	v24 =	vmul.f32 $5.000000000e+00, v36  }
0xcb: {  	v16 =	vadd.f32 v16, v20;
	v13 =	vsub.f32 v13, v22;
	v20 =	vmul.f32 $3.000000000e+00, v21;
	v21 =	vld [tilespmem:s0+$0x8900]  }
0xcc: {  	v11 =	vadd.f32 v17, v11;
	v10 =	vadd.f32 v24, v10;
	v22 =	vld [tilespmem:s0+$0xC300];
	v17 =	vmul.f32 $5.000000000e+00, v14  }
0xcd: {  	v13 =	vadd.f32 v13, v16;
	v12 =	vsub.f32 v12, v20;
	v16 =	vmul.f32 $3.000000000e+00, v28;
	v20 =	vld [tilespmem:s0+$0xC900]  }
0xce: {  	v10 =	vadd.f32 v18, v10;
	v9 =	vadd.f32 v17, v9;
	v18 =	vld [tilespmem:s0+$0xC500];
	v24 =	vmul.f32 $5.000000000e+00, v15  }
0xcf: {  	s5 =	sshra.s32 s1, $0x2;
	v12 =	vadd.f32 v12, v13;
	v11 =	vsub.f32 v11, v16;
	v13 =	vmul.f32 $3.000000000e+00, v23;
	v16 =	vld [tilespmem:s0+$0xC700]  }
0xd0: {  	v17 =	vld [tilespmem:s5+$0xB100];
	v23 =	vadd.f32 v19, v9;
	v21 =	vadd.f32 v24, v21  }
0xd1: {  	v9 =	vld [tilespmem:s5+$0x8700];
	v11 =	vadd.f32 v11, v12;
	v12 =	vsub.f32 v10, v13;
	v13 =	vmul.f32 $3.000000000e+00, v22  }
0xd2: {  	v22 =	vadd.f32 $0.0e+00, v31;
	v19 =	vld [tilespmem:s5+$0xAF00];
	v21 =	vadd.f32 v34, v21  }
0xd3: {  	v10 =	vld [tilespmem:s5+$0x8500];
	v12 =	vadd.f32 v12, v11;
	v13 =	vsub.f32 v23, v13;
	v23 =	vmul.f32 $3.000000000e+00, v18  }
0xd4: {  	v22 =	vadd.f32 v33, v22;
	v18 =	vld [tilespmem:s5+$0xAD00];
	v16 =	vsub.f32 v16, v8  }
0xd5: {  	v11 =	vld [tilespmem:s5+$0x8300];
	v13 =	vadd.f32 v13, v12;
	v21 =	vsub.f32 v21, v23  }
0xd6: {  	v22 =	vadd.f32 v25, v22;
	v23 =	vld [tilespmem:s5+$0xAB00]  }
0xd7: {  	v20 =	vsub.f32 v20, v7;
	v16 =	vmul.f32 v16, v16;
	v12 =	vld [tilespmem:s5+$0x8100];
	v21 =	vadd.f32 v21, v13  }
0xd8: {  	v22 =	vadd.f32 v26, v22;
	v24 =	vld [tilespmem:s5+$0xA900]  }
0xd9: {  	v20 =	vmul.f32 v20, v20;
	v13 =	vld [tilespmem:s5+$0x7F00];
	v21 =	vadd.f32 v16, v21  }
0xda: {  	v22 =	vadd.f32 v35, v22;
	v28 =	vld [tilespmem:s5+$0xA700]  }
0xdb: {  	v16 =	vld [tilespmem:s5+$0x7D00];
	v25 =	vadd.f32 v20, v21  }
0xdc: {  	v26 =	vadd.f32 v30, v22;
	v21 =	vld [tilespmem:s5+$0xA500]  }
.Ltmp4:
0xdd: {  	v20 =	vld [tilespmem:s5+$0x7B00];
	[tilespmem:s0+$0xCB00] =	vst v25;
	(pc) =	sbr.rel @!p1 .LBB2_8-.Ltmp4, $4  }
0xde: {  	v25 =	vadd.f32 v27, v26;
	v22 =	vld [tilespmem:s5+$0xA300]  }
0xdf: {  	v27 =	vld [tilespmem:s5+$0xB300]  }
0xe0: {  	v25 =	vadd.f32 v36, v25;
	v29 =	vld [tilespmem:s5+$0xA100]  }
0xe1: {  	s1 =	sadd.s32 $0x40, s1;
	v30 =	vld [tilespmem:s5+$0x7700]  }
.LBB2_9:
0xe2: {  	v26 =	vld [tilespmem:s5+$0x8B00];
	v14 =	vadd.f32 @p0 v14, v25  }
0xe3: {  	v49 =	vld [tilespmem:s5+$0x9F00]  }
0xe4: {  	v31 =	vld [tilespmem:s5+$0x8D00];
	v14 =	vadd.f32 @p0 v15, v14  }
0xe5: {  	v32 =	vld [tilespmem:s5+$0x7900]  }
0xe6: {  	v19 =	vadd.f32 v19, v19;
	v15 =	vld [tilespmem:s5+$0x8F00];
	[tilespmem:s0+$0xCD00] =	vst @p0 v14  }
0xe7: {  	v17 =	vadd.f32 v17, v17;
	v23 =	vadd.f32 v23, v23;
	v33 =	vld [tilespmem:s5+$0x9100]  }
0xe8: {  	v18 =	vadd.f32 v18, v18;
	v28 =	vadd.f32 v28, v28;
	v34 =	vld [tilespmem:s5+$0xB500]  }
0xe9: {  	v24 =	vadd.f32 v24, v24;
	v21 =	vadd.f32 v21, v21;
	v50 =	vmul.f32 $5.000000000e+00, v26;
	v35 =	vld [tilespmem:s5+$0x9300]  }
0xea: {  	v22 =	vadd.f32 v22, v22;
	v25 =	vadd.f32 v49, v49;
	v51 =	vmul.f32 $5.000000000e+00, v31;
	v36 =	vld [tilespmem:s5+$0xB700]  }
0xeb: {  	v54 =	vld [tilespmem:s5+$0xB900];
	v44 =	vadd.f32 $0.0e+00, v26;
	v14 =	vadd.f32 v50, v30  }
0xec: {  	v29 =	vadd.f32 v29, v29;
	v40 =	vld [tilespmem:s5+$0x9D00];
	v37 =	vmul.f32 $5.000000000e+00, v15;
	v53 =	vadd.f32 v51, v32  }
0xed: {  	v52 =	vmul.f32 $3.000000000e+00, v27;
	v45 =	vld [tilespmem:s5+$0x8900];
	v48 =	vadd.f32 v31, v44;
	v14 =	vadd.f32 v25, v14  }
0xee: {  	v30 =	vld [tilespmem:s5+$0x9500];
	v20 =	vadd.f32 v37, v20;
	v56 =	vadd.f32 v29, v53;
	v55 =	vmul.f32 $5.000000000e+00, v33  }
0xef: {  	v51 =	vadd.f32 v15, v48;
	v57 =	vmul.f32 $3.000000000e+00, v34;
	v59 =	vmul.f32 $5.000000000e+00, v35  }
0xf0: {  	v29 =	vld [tilespmem:s5+$0x9700];
	v60 =	vmul.f32 $3.000000000e+00, v36;
	v14 =	vsub.f32 v14, v52;
	v20 =	vadd.f32 v22, v20  }
0xf1: {  	v58 =	vld [tilespmem:s5+$0xBB00];
	v50 =	vmul.f32 $5.000000000e+00, v40;
	v16 =	vadd.f32 v55, v16;
	v25 =	vsub.f32 v56, v57  }
0xf2: {  	v36 =	vld [tilespmem:s5+$0x9900];
	v63 =	vmul.f32 $3.000000000e+00, v54;
	v13 =	vadd.f32 v59, v13;
	v14 =	vadd.f32 $0.0e+00, v14  }
0xf3: {  	v62 =	vld [tilespmem:s5+$0xBD00];
	v61 =	vmul.f32 $5.000000000e+00, v30;
	v54 =	vadd.f32 v50, v45;
	v20 =	vsub.f32 v20, v60  }
0xf4: {  	v32 =	vld [tilespmem:s5+$0x9B00];
	v16 =	vadd.f32 v21, v16;
	v14 =	vadd.f32 v25, v14  }
0xf5: {  	v39 =	vld [tilespmem:s5+$0xBF00];
	v13 =	vadd.f32 v28, v13;
	v12 =	vadd.f32 v61, v12;
	v37 =	vmul.f32 $5.000000000e+00, v29  }
0xf6: {  	v38 =	vmul.f32 $3.000000000e+00, v58;
	v16 =	vsub.f32 v16, v63;
	v14 =	vadd.f32 v20, v14  }
0xf7: {  	v42 =	vld [tilespmem:s5+$0xC100];
	v41 =	vmul.f32 $5.000000000e+00, v36;
	v12 =	vadd.f32 v24, v12;
	v11 =	vadd.f32 v37, v11  }
0xf8: {  	v43 =	vmul.f32 $3.000000000e+00, v62;
	v13 =	vsub.f32 v13, v38;
	v14 =	vadd.f32 v16, v14  }
0xf9: {  	v47 =	vld [tilespmem:s5+$0xC300];
	v46 =	vmul.f32 $5.000000000e+00, v32;
	v10 =	vadd.f32 v41, v10;
	v11 =	vadd.f32 v23, v11  }
0xfa: {  	v22 =	vmul.f32 $3.000000000e+00, v39;
	v12 =	vsub.f32 v12, v43;
	v13 =	vadd.f32 v13, v14  }
0xfb: {  	v49 =	vld [tilespmem:s5+$0xC500];
	v9 =	vadd.f32 v46, v9;
	v10 =	vadd.f32 v18, v10  }
0xfc: {  	v53 =	vld [tilespmem:s5+$0xC700];
	v52 =	vmul.f32 $3.000000000e+00, v42;
	v11 =	vsub.f32 v11, v22;
	v12 =	vadd.f32 v12, v13  }
0xfd: {  	v9 =	vadd.f32 v19, v9;
	v13 =	vadd.f32 v33, v51  }
0xfe: {  	v55 =	vmul.f32 $3.000000000e+00, v47;
	v10 =	vsub.f32 v10, v52;
	v11 =	vadd.f32 v11, v12  }
0xff: {  	v56 =	vld [tilespmem:s5+$0xC900];
	v57 =	vadd.f32 v17, v54;
	v13 =	vadd.f32 v35, v13  }
0x100: {  	v58 =	vmul.f32 $3.000000000e+00, v49;
	v9 =	vsub.f32 v9, v55;
	v10 =	vadd.f32 v10, v11  }
0x101: {  	v8 =	vsub.f32 v53, v8;
	v59 =	vadd.f32 v30, v13  }
0x102: {  	v60 =	vsub.f32 v57, v58;
	v9 =	vadd.f32 v9, v10  }
0x103: {  	v61 =	vadd.f32 v29, v59  }
0x104: {  	v8 =	vmul.f32 v8, v8;
	v7 =	vsub.f32 v56, v7;
	v9 =	vadd.f32 v60, v9  }
0x105: {  	v62 =	vadd.f32 v36, v61  }
0x106: {  	v7 =	vmul.f32 v7, v7;
	v8 =	vadd.f32 v8, v9  }
0x107: {  	v63 =	vadd.f32 v32, v62  }
0x108: {  	v7 =	vadd.f32 v7, v8  }
0x109: {  	v8 =	vadd.f32 v40, v63  }
0x10a: {  	[tilespmem:s5+$0xCB00] =	vst v7  }
0x10b: {  	s1 =	simm.s32 $0x0;
	[tilespmem:s5+$0xCD00] =	vst v8  }
0x10c: {  	s24 =	simm.s32 $0x10;
	v7 =	vld [tilespmem:s1+$0xCB00]  }
0x10d: {  	v8 =	vld [tilespmem:s24+$0xCB00];
	_ =	sdelay $0x3  }
0x10e: {  	(xrf0) =	vmin.scan.msk.f32 $0xffff, v7  }
0x10f: {  	(xrf0) =	vmin.scan.msk.f32 $0xffff, v8;
	_ =	sdelay $0x4  }
0x110: {  	s30 =	simm.s32 $0x20;
	v8, _, _ =	vpop (xrf0)  }
0x111: {  	v7 =	vld [tilespmem:s30+$0xCB00];
	(v2sf) =	vpush v8, $0xF;
	v8, _, _ =	vpop (xrf0)  }
0x112: {  	(v2sf) =	vpush v8, $0xF;
	_ =	sdelay $0x3  }
0x113: {  	s2 =	simm.s32 $0x30;
	(xrf0) =	vmin.scan.msk.f32 $0xffff, v7  }
0x114: {  	v7 =	vld [tilespmem:s2+$0xCB00];
	_ =	sdelay $0x3  }
0x115: {  	s0 =	simm.f32 $+Inf;
	s1 =	simm.s32 $0x100  }
.LBB2_10:
0x116: {  	s2 =	sshra.s32 s1, $0x2;
	p0 =	seq.s32 s1, $0x7C0;
	s1 =	sadd.s32 $0x40, s1;
	(xrf0) =	vmin.scan.msk.f32 $0xffff, v7;
	v8, _, _ =	vpop (xrf0)  }
.Ltmp5:
0x117: {  	v7 =	vld [tilespmem:s2+$0xCB00];
	(v2sf) =	vpush v8, $0xF;
	(pc) =	sbr.rel @!p0 .LBB2_10-.Ltmp5, $3  }
0x118: {  	_ =	sdelay $0x1  }
0x119: {  	s2 =	spop (v2sf)  }
0x11a: {  	s0 =	smin.f32 s0, s2  }
0x11b: {  	(xrf0) =	vmin.scan.msk.f32 $0xffff, v7;
	_ =	sdelay $0x4  }
0x11c: {  	v7, _, _ =	vpop (xrf0)  }
0x11d: {  	(v2sf) =	vpush v7, $0xF;
	v7, _, _ =	vpop (xrf0)  }
0x11e: {  	(v2sf) =	vpush v7, $0xF;
	_ =	sdelay $0xb  }
0x11f: {  	s1 =	spop (v2sf)  }
0x120: {  	s0 =	smin.f32 s0, s1;
	s24 =	spop (v2sf)  }
0x121: {  	s0 =	smin.f32 s0, s24;
	s30 =	spop (v2sf)  }
0x122: {  	s0 =	smin.f32 s0, s30;
	s2 =	spop (v2sf)  }
0x123: {  	s0 =	smin.f32 s0, s2;
	s2 =	simm.s32 $0xCB00  }
0x124: {  	v8 =	vld [tilespmem:s2+$0x0]  }
0x125: {  	s4 =	simm.s32 $0x0  }
0x126: {  	v9 =	vor.u32 s4, v6  }
0x127: {  	vm3 =	vlt.s32 v9, $0x1F3  }
0x128: {  	v9 =	vnsel vm3, $0x1F3, v9;
	v7 =	vmov s0  }
0x129: {  	vm3 =	veq.f32 v8, v7;
	v8 =	vadd.s32 v5, v9  }
0x12a: {  	v8 =	vnsel vm3, $0xC0000000, v8  }
0x12b: {  	(xrf0) =	vmin.scan.msk.u32 $0xffff, v8;
	_ =	sdelay $0x4  }
0x12c: {  	s5 =	simm.s32 $0xCB10  }
0x12d: {  	s19 =	simm.s32 $0xCB20;
	v9 =	vld [tilespmem:s5+$0x0];
	v8, _, _ =	vpop (xrf0)  }
0x12e: {  	s20 =	simm.s32 $0x10;
	(v2sf) =	vpush v8, $0xF;
	v8 =	vld [tilespmem:s19+$0x0]  }
0x12f: {  	s21 =	simm.s32 $0x20;
	v10 =	vor.u32 s20, v6  }
0x130: {  	v11 =	vor.u32 s21, v6;
	vm3 =	vlt.s32 v10, $0x1F3  }
0x131: {  	v10 =	vnsel vm3, $0x1F3, v10;
	vm3 =	vlt.s32 v11, $0x1F3  }
0x132: {  	vm4 =	veq.f32 v9, v7;
	v9 =	vadd.s32 v5, v10;
	v10 =	vnsel vm3, $0x1F3, v11  }
0x133: {  	v9 =	vnsel vm4, $0xC0000000, v9;
	vm3 =	veq.f32 v8, v7;
	v8 =	vadd.s32 v5, v10  }
0x134: {  	s22 =	simm.s32 $0xCB30;
	(xrf0) =	vmin.scan.msk.u32 $0xffff, v9;
	v8 =	vnsel vm3, $0xC0000000, v8  }
0x135: {  	v9 =	vld [tilespmem:s22+$0x0];
	(xrf0) =	vmin.scan.msk.u32 $0xffff, v8;
	_ =	sdelay $0x1  }
0x136: {  	s23 =	simm.s32 $0x30;
	s30 =	simm.s32 $0x40  }
0x137: {  	v11 =	vor.u32 s30, v6;
	v8 =	vor.u32 s23, v6  }
0x138: {  	vm3 =	vlt.s32 v8, $0x1F3  }
0x139: {  	vm4 =	vlt.s32 v11, $0x1F3;
	v8 =	vnsel vm3, $0x1F3, v8;
	vm3 =	veq.f32 v9, v7;
	v9, _, _ =	vpop (xrf0)  }
0x13a: {  	(v2sf) =	vpush v9, $0xF;
	v9 =	vnsel vm4, $0x1F3, v11;
	v11, _, _ =	vpop (xrf0)  }
0x13b: {  	(v2sf) =	vpush v11, $0xF;
	_ =	sdelay $0x1  }
0x13c: {  	s24 =	simm.s32 $0xCB40  }
0x13d: {  	v10 =	vld [tilespmem:s24+$0x0];
	v8 =	vadd.s32 v5, v8  }
0x13e: {  	v8 =	vnsel vm3, $0xC0000000, v8  }
0x13f: {  	(xrf0) =	vmin.scan.msk.u32 $0xffff, v8;
	_ =	sdelay $0x1  }
0x140: {  	s1 =	simm.s32 $0x50  }
0x141: {  	s0 =	simm.s32 $0x40000000;
	s2 =	simm.s32 $0xCB50;
	vm3 =	veq.f32 v10, v7;
	v8 =	vadd.s32 v5, v9;
	s5 =	spop (v2sf)  }
.LBB2_12:
0x142: {  	s4 =	smov.u32 s0;
	p0 =	seq.s32 s1, $0x1F0  }
0x143: {  	v10 =	vnsel vm3, $0xC0000000, v8;
	s0 =	sxor.u32 $0x80000000, s5;
	s5 =	smov.u32 s1;
	s1 =	sadd.s32 $0x10, s1;
	v9 =	vld [tilespmem:s2+$0x0]  }
.Ltmp6:
0x144: {  	p1 =	slt.s32 s4, s0;
	(xrf0) =	vmin.scan.msk.u32 $0xffff, v10;
	v8, _, _ =	vpop (xrf0);
	(pc) =	sbr.rel @!p0 .LBB2_12-.Ltmp6, $4  }
0x145: {  	v10 =	vor.u32 s5, v6;
	s0 =	smov.u32 @p1 s4;
	(v2sf) =	vpush v8, $0xF  }
0x146: {  	vm3 =	vlt.s32 v10, $0x1F3  }
0x147: {  	v8 =	vnsel vm3, $0x1F3, v10  }
0x148: {  	s2 =	sadd.s32 $0x10, s2;
	v8 =	vadd.s32 v5, v8;
	vm3 =	veq.f32 v9, v7;
	s5 =	spop (v2sf)  }
0x149: {  	v8 =	vnsel vm3, $0xC0000000, v8  }
0x14a: {  	(xrf0) =	vmin.scan.msk.u32 $0xffff, v8;
	_ =	sdelay $0x3  }
0x14b: {  	v8, _, _ =	vpop (xrf0)  }
0x14c: {  	(v2sf) =	vpush v8, $0xF  }
0x14d: {  	v8, _, _ =	vpop (xrf0)  }
0x14e: {  	(v2sf) =	vpush v8, $0xF;
	_ =	sdelay $0x7  }
0x14f: {  	s1 =	sxor.u32 $0x80000000, s5  }
0x150: {  	s2 =	spop (v2sf);
	p0 =	slt.s32 s0, s1  }
0x151: {  	s1 =	smov.u32 @p0 s0;
	s0 =	sxor.u32 $0x80000000, s2  }
0x152: {  	p0 =	slt.s32 s1, s0;
	s5 =	spop (v2sf)  }
0x153: {  	s0 =	smov.u32 @p0 s1;
	s1 =	sxor.u32 $0x80000000, s5  }
0x154: {  	p0 =	slt.s32 s0, s1;
	s19 =	spop (v2sf)  }
0x155: {  	s1 =	smov.u32 @p0 s0;
	s2 =	sxor.u32 $0x80000000, s19  }
0x156: {  	s21 =	simm.s32 $0x0;
	p0 =	slt.s32 s1, s2;
	s20 =	spop (v2sf)  }
0x157: {  	v9 =	vld [tilespmem:s21+$0xCD00];
	s2 =	smov.u32 @p0 s1;
	s0 =	sxor.u32 $0x80000000, s20  }
0x158: {  	s22 =	simm.s32 $0x10;
	p0 =	slt.s32 s2, s0  }
0x159: {  	v10 =	vld [tilespmem:s22+$0xCD00];
	s0 =	smov.u32 @p0 s2  }
0x15a: {  	v12 =	vadd.s32 s9, v6;
	v8 =	vmov s0  }
0x15b: {  	s24 =	sadd.s32 $0x10, s9;
	vm3 =	veq.s32 v12, v8  }
0x15c: {  	v62 =	vadd.s32 s24, v6;
	v9 =	vnsel vm3, $0x0, v9  }
0x15d: {  	vm3 =	veq.s32 v62, v8;
	(xrf2) =	vadd.scan.msk.f32 $0xffff, v9  }
0x15e: {  	v9 =	vnsel vm3, $0x0, v10  }
0x15f: {  	(xrf2) =	vadd.scan.msk.f32 $0xffff, v9;
	_ =	sdelay $0x1  }
0x160: {  	s23 =	simm.s32 $0x20  }
0x161: {  	v11 =	vld [tilespmem:s23+$0xCD00];
	_ =	sdelay $0x1  }
0x162: {  	s1 =	sadd.s32 $0x10, s24  }
0x163: {  	v63 =	vadd.s32 s1, v6;
	s1 =	sadd.s32 $0x10, s1  }
0x164: {  	vm3 =	veq.s32 v63, v8;
	v10 =	vadd.s32 s1, v6  }
0x165: {  	v9 =	vnsel vm3, $0x0, v11;
	v11, _, _ =	vpop (xrf2)  }
0x166: {  	s30 =	simm.s32 $0x30;
	(v2sf) =	vpush v11, $0xF  }
0x167: {  	vm3 =	veq.s32 v10, v8;
	(xrf2) =	vadd.scan.msk.f32 $0xffff, v9;
	v9 =	vld [tilespmem:s30+$0xCD00];
	v10, _, _ =	vpop (xrf2)  }
0x168: {  	(v2sf) =	vpush v10, $0xF;
	_ =	sdelay $0x3  }
0x169: {  	s4 =	simm.s32 $0x40;
	v9 =	vnsel vm3, $0x0, v9  }
0x16a: {  	(xrf2) =	vadd.scan.msk.f32 $0xffff, v9;
	v9 =	vld [tilespmem:s4+$0xCD00];
	_ =	sdelay $0x1  }
0x16b: {  	s1 =	sadd.s32 $0x10, s1  }
0x16c: {  	v11 =	vadd.s32 s1, v6  }
0x16d: {  	s2 =	simm.s32 $0x140;
	s0 =	simm.f32 $0.0e+00;
	vm3 =	veq.s32 v11, v8;
	v10, _, _ =	vpop (xrf2)  }
.LBB2_14:
0x16e: {  	s4 =	sshra.s32 s2, $0x2;
	p0 =	sne.s32 s2, $0x7C0;
	s2 =	sadd.s32 $0x40, s2;
	v11 =	vnsel vm3, $0x0, v9;
	(v2sf) =	vpush v10, $0xF  }
.Ltmp7:
0x16f: {  	v9 =	vld [tilespmem:s4+$0xCD00];
	(xrf2) =	vadd.scan.msk.f32 $0xffff, v11;
	(pc) =	sbr.rel @p0 .LBB2_14-.Ltmp7, $4  }
0x170: {  	_ = 	snop  }
0x171: {  	s1 =	sadd.s32 $0x10, s1;
	s4 =	spop (v2sf)  }
0x172: {  	v11 =	vadd.s32 s1, v6;
	s0 =	sadd.f32 s4, s0  }
0x173: {  	vm3 =	veq.s32 v11, v8;
	v10, _, _ =	vpop (xrf2)  }
0x174: {  	v9 =	vnsel vm3, $0x0, v9  }
0x175: {  	(xrf2) =	vadd.scan.msk.f32 $0xffff, v9;
	_ =	sdelay $0x6  }
0x176: {  	(v2sf) =	vpush v10, $0xF  }
0x177: {  	v62, _, _ =	vpop (xrf2)  }
0x178: {  	(v2sf) =	vpush v62, $0xF  }
0x179: {  	v63, _, _ =	vpop (xrf2)  }
0x17a: {  	(v2sf) =	vpush v63, $0xF;
	_ =	sdelay $0x6  }
0x17b: {  	s1 =	spop (v2sf)  }
0x17c: {  	s0 =	sadd.f32 s1, s0  }
0x17d: {  	s21 =	spop (v2sf)  }
0x17e: {  	s0 =	sadd.f32 s21, s0  }
0x17f: {  	s22 =	spop (v2sf)  }
0x180: {  	s0 =	sadd.f32 s22, s0  }
0x181: {  	s23 =	spop (v2sf)  }
0x182: {  	s0 =	sadd.f32 s23, s0  }
0x183: {  	s24 =	spop (v2sf)  }
0x184: {  	s0 =	sadd.f32 s24, s0  }
0x185: {  	v7 =	vnsel vm0, $0x0, v7;
	v8 =	vbroadcast v8, $0x0  }
0x186: {  	v7 =	vsel vm1, s0, v7  }
0x187: {  	s31 =	sadd.s32 $0x1, s31;
	v7 =	vsel vm2, v8, v7  }
0x188: {  	s30 =	simm.s32 $0xD000;
	p0 =	sne.s32 s31, s13;
	[tilespmem:$0xD000] =	vst v7  }
0x189: {  	[hbm4b:s12+s3] =	stream.linear.scatter [tilespmem:s30], [sflag:$0x5], $0x10, $0x38;
	[tilespmem:$0xD080] =	vst v63  }
.Ltmp8:
0x18a: {  	_ = 	snop;
	(pc) =	sbr.rel @p0 .LBB2_1-.Ltmp8, $4  }
.Ltmp9:
0x18b: {  	_ = 	snop;
	(pc) =	sbr.rel @!p0 .LBB2_16-.Ltmp9, $4  }
0x18c: {  	_ =	swait.ge [sflag:s15], $0x10  }
0x18d: {  	[sflag:s15] =	ssyncset.done $0x0  }
0x18e: {  	[sflag:s15] =	ssyncadd.s32 $0xFFFFFFF0  }
0x18f: {  	_ = 	snop  }
.LBB2_6:
.Ltmp10:
0x190: {  	(pc) =	sbr.rel .LBB2_9-.Ltmp10, $2  }
0x191: {  	_ =	sdelay $0x2  }
0x192: {  	s5 =	simm.s32 $0x0  }
.LBB2_16:
0x193: {  	_ =	sfence.sel $0x180000  }
0x194: {  	[bflag:$0x0] =	sbarrier.arrive $0xFFFF  }
0x195: {  	_ =	strace $0x90000047  }
0x196: {  	s0 =	stileid.u32;
	[bflag:$0x2] =	sbarrier.arrive $0xFFFF  }
0x197: {  	p0 =	sne.s32 s0, $0x0;
	s0 =	rddreg [dreg:$0x3]  }
0x198: {  	s0 =	sadd.s32 @!p0 $0x100000, s0  }
0x199: {  	[sflag:s0] =	ssyncadd.tile.s32 @!p0 $0x1;
	_ =	shalt  }
.Lfunc_end2:
_tile_overlayer_lowered:
.L_overlay_start_2:
0x19a: {  	(tag) =	ssettag $0x2  }
0x19b: {  	s0 =	rddreg [dreg:$0x0];
	s2 =	stileid.u32  }
0x19c: {  	s1 =	rddreg [dreg:$0x1];
	p0 =	sne.s32 s2, $0x0  }
0x19d: {  	s3 =	rddreg [dreg:$0x2];
	[bflag:$0x3] =	sbarrier.arrive $0xFFFF;
	s2 =	simm.s32 @!p0 $0x1C05  }
0x19e: {  	[timem:s3], [sflag:s2] =	dma.local @!p0 [hbm:s0], s1  }
0x19f: {  	s0 =	simm.s32 @!p0 $0x5  }
0x1a0: {  	_ =	swait.ge @!p0 [sflag:s0], s1  }
0x1a1: {  	s1 =	ssub.s32 @!p0 $0x0, s1;
	[sflag:s0] =	ssyncset.done @!p0 $0x0  }
0x1a2: {  	[sflag:s0] =	ssyncadd.s32 @!p0 s1  }
0x1a3: {  	[bflag:$0x3] =	sbarrier.arrive $0xFFFF  }
0x1a4: {  	_ =	shalt  }

// kernel: kernel.7.cloned.1.call-start
scs
__scs_entry_jumppad:
0x0: {  	(pc) =	sbr.rel $0x88, $3  }
0x1: {  	(tag) =	ssettag $0x0;
	lr =	simm.s32 $0x1  }
0x2: {  	[smem:$0x3F9A] =	sst lr;
	_ =	strace $0xD0000000  }
0x3: {  	_ = 	snop  }
0x4: {  	_ = 	snop  }
0x5: {  	_ = 	snop  }
0x6: {  	_ = 	snop  }
0x7: {  	_ = 	snop  }
__scs_overlays_trampoline_lowered:
0x8: {  	[smem:$0x3FA9] =	sst s0  }
0x9: {  	[smem:$0x3FAA] =	sst s1  }
0xa: {  	[smem:$0x3FAB] =	sst s2  }
0xb: {  	[smem:$0x3FAC] =	sst s3  }
0xc: {  	[smem:$0x3FAD] =	sst s4  }
0xd: {  	[smem:$0x3FAE] =	sst s5  }
0xe: {  	[smem:$0x3FAF] =	sst s6  }
0xf: {  	[smem:$0x3FB0] =	sst s7  }
0x10: {  	[smem:$0x3FB1] =	sst s8  }
0x11: {  	[smem:$0x3FB2] =	sst s9;
	s0 =	simm.s32 @!p0 $0x0  }
0x12: {  	s1 =	sld [smem:$0x3F98];
	s0 =	simm.s32 @p0 $0x1  }
0x13: {  	[smem:$0x3FB3] =	sst s0;
	s0 =	simm.s32 @!p1 $0x0  }
0x14: {  	s2 =	sld [smem:$0x3F97];
	s0 =	simm.s32 @p1 $0x1  }
0x15: {  	[smem:$0x3FB4] =	sst s0;
	s0 =	simm.s32 @!p2 $0x0  }
0x16: {  	s3 =	sld [smem:$0x3FDB];
	s0 =	simm.s32 @p2 $0x1  }
0x17: {  	s4 =	simm.s32 $0x1BF5;
	[smem:$0x3FB6] =	sst s0  }
0x18: {  	s0 =	sld [smem:$0x3F99];
	_ =	swait.ge [sflag:s4], $0x0  }
0x19: {  	s7 =	sld [smem:$0x3F9A]  }
0x1a: {  	s8 =	sadd.s32 $0xFFFFE003, lr  }
0x1b: {  	s9 =	sadd.s32 $0xFFFFFEF7, lr;
	s5 =	simm.s32 $0xFFFFFFFF;
	p2 =	slt.u32 s8, $0xFFFFF086  }
0x1c: {  	p1 =	slt.u32 s9, $0xF7A;
	s5 =	simm.s32 @!p2 $0x0  }
0x1d: {  	s5 =	simm.s32 @p1 $0x1;
	p0 =	seq.s32 s7, s2  }
0x1e: {  	s7 =	smul.u32 @!p0 $0xF7A, s2;
	p2 =	seq.s32 @!p0 s5, $0x0  }
0x1f: {  	s9 =	smul.u32 $0xF7A, s1;
	s8 =	simm.s32 @!p0 $0x1BF5;
	p2 =	por !p2, p0  }
0x20: {  	[sflag:s8] =	ssyncset.s32 @!p0 $0xFFFFF086;
	s6 =	sadd.s32 @!p0 s3, s7;
	s7 =	simm.s32 @!p0 $0x108  }
0x21: {  	s3 =	sadd.s32 s3, s9;
	s6 =	sadd.s32 @!p0 $0x88, s6;
	s7 =	simm.s32 @p2 $0x1082  }
0x22: {  	[simem:s7], [sflag:s8] =	dma.local @!p0 [hbm:s6], $0xF7A  }
0x23: {  	s9 =	sor.u32 $0xD0000000, s2;
	s6 =	simm.s32 $0x108;
	_ =	swait.ge @!p0 [sflag:s8], $0x0  }
0x24: {  	s3 =	sadd.s32 $0x88, s3;
	s6 =	simm.s32 @!p1 $0x1082;
	[sflag:s4] =	ssyncset.s32 $0xFFFFF086  }
0x25: {  	[simem:s6], [sflag:s4] =	dma.local [hbm:s3], $0xF7A  }
0x26: {  	[smem:$0x3F9A] =	sst s1;
	(tag) =	ssettag s2;
	_ =	strace s9  }
0x27: {  	s1 =	sld [smem:$0x3FAA]  }
0x28: {  	s2 =	sld [smem:$0x3FAB]  }
0x29: {  	s4 =	sld [smem:$0x3FAD]  }
0x2a: {  	p0 =	seq.s32 s5, $0x0;
	s5 =	sld [smem:$0x3FAE]  }
0x2b: {  	s6 =	sld [smem:$0x3FAF]  }
0x2c: {  	s7 =	sld [smem:$0x3FB0]  }
0x2d: {  	s3 =	simm.s32 $0x108;
	s8 =	sld [smem:$0x3FB1]  }
0x2e: {  	s3 =	simm.s32 @!p0 $0x1082;
	s9 =	sld [smem:$0x3FB2]  }
0x2f: {  	lr =	sadd.s32 s0, s3;
	s0 =	sld [smem:$0x3FA9]  }
0x30: {  	s3 =	sld [smem:$0x3FAC]  }
0x31: {  	[smem:$0x3FB5] =	sst s10  }
0x32: {  	s10 =	sld [smem:$0x3FB3];
	_ =	sdelay $0x3  }
0x33: {  	p0 =	seq.s32 s10, $0x1;
	s10 =	sld [smem:$0x3FB5];
	_ =	sdelay $0x3  }
0x34: {  	[smem:$0x3FB5] =	sst s10  }
0x35: {  	s10 =	sld [smem:$0x3FB4];
	_ =	sdelay $0x3  }
0x36: {  	p1 =	seq.s32 s10, $0x1;
	s10 =	sld [smem:$0x3FB5];
	_ =	sdelay $0x3  }
0x37: {  	[smem:$0x3FB5] =	sst s10  }
0x38: {  	s10 =	sld [smem:$0x3FB6]  }
0x39: {  	_ = 	snop;
	(pc) =	sbr.ind lr, $3  }
0x3a: {  	_ = 	snop  }
0x3b: {  	_ = 	snop  }
0x3c: {  	p2 =	seq.s32 s10, $0x1;
	s10 =	sld [smem:$0x3FB5]  }
0x3d: {  	_ =	shalt  }
0x3e: {  	_ =	shalt  }
0x3f: {  	_ =	shalt  }
0x40: {  	_ =	shalt  }
0x41: {  	_ =	shalt  }
0x42: {  	_ =	shalt  }
0x43: {  	_ =	shalt  }
0x44: {  	_ =	shalt  }
0x45: {  	_ =	shalt  }
0x46: {  	_ =	shalt  }
0x47: {  	_ =	shalt  }
0x48: {  	_ =	shalt  }
0x49: {  	_ =	shalt  }
0x4a: {  	_ =	shalt  }
0x4b: {  	_ =	shalt  }
0x4c: {  	_ =	shalt  }
0x4d: {  	_ =	shalt  }
0x4e: {  	_ =	shalt  }
0x4f: {  	_ =	shalt  }
0x50: {  	_ =	shalt  }
0x51: {  	_ =	shalt  }
0x52: {  	_ =	shalt  }
0x53: {  	_ =	shalt  }
0x54: {  	_ =	shalt  }
0x55: {  	_ =	shalt  }
0x56: {  	_ =	shalt  }
0x57: {  	_ =	shalt  }
0x58: {  	_ =	shalt  }
0x59: {  	_ =	shalt  }
0x5a: {  	_ =	shalt  }
0x5b: {  	_ =	shalt  }
0x5c: {  	_ =	shalt  }
0x5d: {  	_ =	shalt  }
0x5e: {  	_ =	shalt  }
0x5f: {  	_ =	shalt  }
0x60: {  	_ =	shalt  }
0x61: {  	_ =	shalt  }
0x62: {  	_ =	shalt  }
0x63: {  	_ =	shalt  }
0x64: {  	_ =	shalt  }
0x65: {  	_ =	shalt  }
0x66: {  	_ =	shalt  }
0x67: {  	_ =	shalt  }
0x68: {  	_ =	shalt  }
0x69: {  	_ =	shalt  }
0x6a: {  	_ =	shalt  }
0x6b: {  	_ =	shalt  }
0x6c: {  	_ =	shalt  }
0x6d: {  	_ =	shalt  }
0x6e: {  	_ =	shalt  }
0x6f: {  	_ =	shalt  }
0x70: {  	_ =	shalt  }
0x71: {  	_ =	shalt  }
0x72: {  	_ =	shalt  }
0x73: {  	_ =	shalt  }
0x74: {  	_ =	shalt  }
0x75: {  	_ =	shalt  }
0x76: {  	_ =	shalt  }
0x77: {  	_ =	shalt  }
0x78: {  	_ =	shalt  }
0x79: {  	_ =	shalt  }
0x7a: {  	_ =	shalt  }
0x7b: {  	_ =	shalt  }
0x7c: {  	_ =	shalt  }
0x7d: {  	_ =	shalt  }
0x7e: {  	_ =	shalt  }
0x7f: {  	_ =	shalt  }
0x80: {  	_ =	shalt  }
0x81: {  	_ =	shalt  }
0x82: {  	_ =	shalt  }
0x83: {  	_ =	shalt  }
0x84: {  	_ =	shalt  }
0x85: {  	_ =	shalt  }
0x86: {  	_ =	shalt  }
0x87: {  	_ =	shalt  }
.Lfunc_end0:
.L_simem_size_0:
called_computation.1_lowered:
.L_overlay_start_0:
0x88: {  	s2 =	sld [smem:$0x3FD9]  }
0x89: {  	s3 =	sld [smem:$0x3FFE];
	_ =	sdelay $0x1  }
0x8a: {  	s1 =	srdreg.scid  }
0x8b: {  	s0 =	sand.u32 $0x1, s1  }
0x8c: {  	s17 =	sshll.u32 s0, $0xA;
	s2 =	sadd.s32 s3, s2  }
0x8d: {  	s2 =	sadd.s32 s2, s17  }
0x8e: {  	[smem:$0x3FC1] =	sst s2  }
0x8f: {  	_ = 	snop  }
0x90: {  	s2 =	sld [smem:$0x3FC5]  }
0x91: {  	s18 =	sld [smem:$0x3FD0];
	(tm) =	ssettm $0x1  }
0x92: {  	s4 =	sld [smem:$0x3FFB];
	_ =	sdelay $0x3  }
0x93: {  	_ =	strace s4  }
0x94: {  	s4 =	sld [smem:$0x3FFC];
	_ =	sdelay $0x3  }
0x95: {  	_ =	strace s4  }
0x96: {  	s4 =	sld [smem:$0x3FFD];
	_ =	sdelay $0x3  }
0x97: {  	_ =	strace s4  }
0x98: {  	_ =	strace $0x8FFFFFFF  }
0x99: {  	s19 =	sld [smem:$0x3FDB];
	_ =	sdelay $0x1  }
0x9a: {  	s5 =	simm.s32 $_scs_section_size  }
0x9b: {  	s6 =	simm.s32 $_size__tile_overlayer_lowered;
	s7 =	simm.s32 $_tile_overlayer_lowered  }
0x9c: {  	s22 =	simm.s32 $0x1BFF;
	s21 =	sshll.u32 s7, $0x1;
	s4 =	sadd.s32 s5, s19  }
0x9d: {  	s8 =	simm.s32 $0x0;
	s20 =	sshll.u32 s6, $0x1;
	s6 =	sadd.s32 s21, s4  }
0x9e: {  	[timem:s8], [sflag:s22] =	dma.local [hbm:s6], s20  }
0x9f: {  	_ =	swait.ge [sflag:s22], s20  }
0xa0: {  	s5 =	ssub.s32 $0x0, s20;
	[sflag:s22] =	ssyncset.done $0x0  }
0xa1: {  	[sflag:s22] =	ssyncadd.s32 s5;
	_ =	sdelay $0x1  }
0xa2: {  	s23 =	simm.s32 $0x1B8B  }
0xa3: {  	_ =	swait.ge [sflag:s23], $0x1  }
0xa4: {  	[sflag:s23] =	ssyncset.done $0x0  }
0xa5: {  	s25 =	simm.s32 $0x1B8E;
	s24 =	sld [smem:$0x3FFE];
	[sflag:s23] =	ssyncadd.s32 $0xFFFFFFFF  }
0xa6: {  	s26 =	simm.s32 $execute0_lowered;
	[smem:$0x3FD2] =	sst s25  }
0xa7: {  	s6 =	sshll.u32 s26, $0x1;
	_ =	strace $0x80000049;
	[dreg:$0x1] =	wrdreg $0xFFFFFFFF  }
0xa8: {  	s28 =	simm.s32 $_size_execute0_lowered;
	s4 =	sadd.s32 s4, s6;
	[dreg:$0x0] =	wrdreg $0x0  }
0xa9: {  	s6 =	sshll.u32 s28, $0x1;
	[dreg:$0x2] =	wrdreg s4  }
0xaa: {  	[dreg:$0x3] =	wrdreg s6  }
0xab: {  	[dreg:$0x4] =	wrdreg $0xC0  }
0xac: {  	_ =	task [dreg:s8], $0x5FFFF  }
0xad: {  	[dreg:$0x1] =	wrdreg $0xFFFFFFFF  }
0xae: {  	[dreg:$0x0] =	wrdreg $0x60  }
0xaf: {  	[dreg:$0x2] =	wrdreg s24  }
0xb0: {  	[dreg:$0x3] =	wrdreg s2  }
0xb1: {  	[dreg:$0x4] =	wrdreg s18  }
0xb2: {  	[dreg:$0x5] =	wrdreg $0x9  }
0xb3: {  	_ =	task.clear_ibuf [dreg:s8], $0x6FFFF;
	_ =	strace $0x90000049  }
0xb4: {  	s29 =	simm.s32 $0x9;
	_ =	strace $0x8000004B  }
0xb5: {  	_ =	swait.ge [sflag:s29], $0x1  }
0xb6: {  	[sflag:s29] =	ssyncadd.s32 $0xFFFFFFFF  }
0xb7: {  	_ =	strace $0x9000004B  }
0xb8: {  	_ =	sfence  }
0xb9: {  	s30 =	sld [smem:$0x0];
	_ =	sdelay $0x2  }
0xba: {  	s31 =	sshll.u32 s1, $0xD;
	s1 =	sshrl.u32 s1, $0x2  }
0xbb: {  	s3 =	sand.u32 $0x4000, s31;
	s1 =	sadd.s32 s1, s30  }
0xbc: {  	s0 =	sor.u32 s3, s0;
	s1 =	sshll.u32 s1, $0x11  }
0xbd: {  	s0 =	sor.u32 s1, s0  }
0xbe: {  	s0 =	sadd.s32 $0x8F2B, s0  }
0xbf: {  	[sflag:s0] =	ssyncadd.remote.s32 $0x1  }
0xc0: {  	_ =	sfence.sel $0xFFFF  }
0xc1: {  	[dreg:$0x0] =	wrdreg $0xFFFFFFFF;
	(pc) =	sbr.abs _section_cstart, $3  }
0xc2: {  	[dreg:$0x1] =	wrdreg $0xFFFFFFFF  }
0xc3: {  	_ =	task.clear_ibuf [dreg:s8], $0x2FFFF;
	_ =	strace $0x9FFFFFFF  }
0xc4: {  	(tm) =	ssettm $0x7FFFFFFF  }
0xc5: {  	_ =	shalt  }
tec
execute0_lowered:
.L_overlay_start_1:
0x0: {  	(tag) =	ssettag $0x1  }
0x1: {  	s1 =	srdreg.scid  }
0x2: {  	s1 =	sand.u32 $0x1, s1  }
0x3: {  	p0 =	seq.s32 s1, $0x1  }
.Ltmp0:
0x4: {  	s5 =	rddreg [dreg:$0x0];
	(pc) =	sbr.rel @p0 .LBB2_2-.Ltmp0, $4  }
0x5: {  	s4 =	rddreg [dreg:$0x1]  }
0x6: {  	s2 =	rddreg [dreg:$0x2];
	s3 =	simm.s32 $0x0  }
0x7: {  	[smem:$0x7FF] =	sst s3  }
0x8: {  	s0 =	rddreg [dreg:$0x3];
	_ =	strace $0x8000004A;
	s1 =	stileid.u32  }
0x9: {  	s6 =	simm.s32 $0x80;
	s24 =	simm.s32 $0x1  }
0xa: {  	[tilespmem:s6], [sflag:$0x1] =	stream.linear.gather [hbm4b:s4+s3], $0x80, $0x38;
	[tilespmem:$0x200] =	vst v63  }
0xb: {  	_ =	swait.ge [sflag:s24], $0x80  }
0xc: {  	s7 =	sadd.s32 $0xEB400, s5;
	s8 =	sshll.u32 s1, $0x2;
	[sflag:s24] =	ssyncset.done $0x0  }
0xd: {  	v0 =	vmov s1;
	s7 =	sadd.s32 s7, s8;
	[sflag:s24] =	ssyncadd.s32 $0xFFFFFF80  }
0xe: {  	[tilespmem:s3], [sflag:$0x1] =	stream.linear.gather [hbm4b:s7+s3], $0x20, $0x38;
	[tilespmem:$0x200] =	vst v63  }
0xf: {  	_ =	swait.ge [sflag:s24], $0x20  }
0x10: {  	[sflag:s24] =	ssyncset.done $0x0  }
0x11: {  	[sflag:s24] =	ssyncadd.s32 $0xFFFFFFE0  }
0x12: {  	v0 =	vld.idx.msk [tilespmem:v0+s6+$0x0], $0xffff  }
0x13: {  	v1 =	vld [tilespmem:$0x10]  }
0x14: {  	v2 =	vld [tilespmem:$0x0];
	_ =	sdelay $0x2  }
0x15: {  	(v2sf) =	vpush v0, $0x0  }
0x16: {  	(v2sf) =	vpush v1, $0x0  }
0x17: {  	(v2sf) =	vpush v2, $0x0  }
0x18: {  	(v2sf) =	vpush v1, $0x2  }
0x19: {  	(v2sf) =	vpush v2, $0x2;
	_ =	sdelay $0x4  }
0x1a: {  	(v2sf) =	vpush v1, $0x1  }
0x1b: {  	(v2sf) =	vpush v2, $0x1;
	_ =	sdelay $0x4  }
0x1c: {  	s25 =	spop (v2sf)  }
0x1d: {  	s10 =	smul.u32 $0xBB8, s1;
	s7 =	spop (v2sf)  }
0x1e: {  	s6 =	smul.u32 $0x3E8, s25;
	s8 =	spop (v2sf)  }
0x1f: {  	v59 =	vimm.s32 $0x13121110;
	s9 =	spop (v2sf);
	p0 =	slt.f32 s7, s8  }
0x20: {  	v60 =	vimm.s32 $0x17161514;
	v0 =	vunpack.c.0.s8.s32 v59;
	s11 =	spop (v2sf)  }
0x21: {  	vm0 =	vcmask $0xF00;
	v61 =	vimm.s32 $0x1B1A1918;
	v1 =	vunpack.c.0.s8.s32 v60;
	s6 =	sadd.s32 s10, s6;
	s11 =	smov.u32 @p0 s9  }
0x22: {  	vm11 =	vcmask $0x1F10;
	v0 =	vnsel vm0, $0x1D, v0;
	v2 =	vunpack.c.0.s8.s32 v61;
	s6 =	sadd.s32 s11, s6  }
0x23: {  	vm12 =	vcmask $0x2F20;
	v0 =	vsel vm11, v1, v0;
	s6 =	smul.u32 $0x1E, s6  }
0x24: {  	vm13 =	vcmask $0x3330;
	s26 =	sadd.s32 $0xBB8C00, s5;
	v0 =	vsel vm12, v2, v0  }
0x25: {  	v0 =	vsel vm13, $0x1C, v0;
	s9 =	spop (v2sf);
	s28 =	sand.u32 $0x6, s6;
	s6 =	sshrl.u32 s6, $0x3  }
0x26: {  	s29 =	simm.s32 $0x100;
	v62 =	vlaneseq.u32;
	s11 =	spop (v2sf);
	s5 =	sadd.s32 s26, s6;
	v0 =	vadd.s32 s28, v0  }
0x27: {  	v63 =	vadd.s32 s28, v62;
	[tilespmem:s29], [sflag:$0x1] =	stream.linear.gather [hbm4b:s5+s3], $0x28, $0x38;
	[tilespmem:$0x200] =	vst v63  }
0x28: {  	_ =	swait.ge [sflag:s24], $0x28  }
0x29: {  	[sflag:s24] =	ssyncset.done $0x0  }
0x2a: {  	[sflag:s24] =	ssyncadd.s32 $0xFFFFFFD8  }
0x2b: {  	v0 =	vld.idx.msk [tilespmem:v0+s29+$0x0], $0xffff  }
0x2c: {  	v2 =	vld.idx.msk [tilespmem:v63+s29+$0x0], $0xffff;
	_ =	sdelay $0x2  }
0x2d: {  	vm14 =	veq.s32 v62, $0xE;
	s8 =	smov.u32 @p0 s7  }
0x2e: {  	vm15 =	veq.s32 v62, $0xF;
	s11 =	smov.u32 @p0 s9;
	v0 =	vsel vm14, s8, v0  }
0x2f: {  	s30 =	sshll.u32 s1, $0x4;
	[tilespmem:$0x180] =	vst v2;
	v0 =	vsel vm15, s11, v0  }
0x30: {  	s31 =	simm.s32 $0x180;
	s2 =	sadd.s32 s2, s30;
	[tilespmem:$0x190] =	vst v0  }
0x31: {  	[hbm4b:s2+s3] =	stream.linear.scatter [tilespmem:s31], [sflag:$0x1], $0x80, $0x38;
	[tilespmem:$0x200] =	vst v63  }
0x32: {  	_ =	swait.ge [sflag:s24], $0x80  }
0x33: {  	[sflag:s24] =	ssyncset.done $0x0  }
0x34: {  	[sflag:s24] =	ssyncadd.s32 $0xFFFFFF80  }
.LBB2_2:
0x35: {  	_ =	sfence.sel $0x180000  }
0x36: {  	[bflag:$0x0] =	sbarrier.arrive $0xFFFF  }
0x37: {  	p0 =	sne.s32 s1, $0x0;
	_ =	strace $0x9000004A  }
0x38: {  	s0 =	sadd.s32 @!p0 $0x100000, s0;
	[bflag:$0x2] =	sbarrier.arrive $0xFFFF  }
0x39: {  	[sflag:s0] =	ssyncadd.tile.s32 @!p0 $0x1;
	_ =	shalt  }
.Lfunc_end2:
_tile_overlayer_lowered:
.L_overlay_start_2:
0x3a: {  	(tag) =	ssettag $0x2  }
0x3b: {  	s0 =	rddreg [dreg:$0x0];
	s2 =	stileid.u32  }
0x3c: {  	s1 =	rddreg [dreg:$0x1];
	p0 =	sne.s32 s2, $0x0  }
0x3d: {  	s3 =	rddreg [dreg:$0x2];
	[bflag:$0x3] =	sbarrier.arrive $0xFFFF;
	s2 =	simm.s32 @!p0 $0x1C01  }
0x3e: {  	[timem:s3], [sflag:s2] =	dma.local @!p0 [hbm:s0], s1  }
0x3f: {  	s0 =	simm.s32 @!p0 $0x1  }
0x40: {  	_ =	swait.ge @!p0 [sflag:s0], s1  }
0x41: {  	s1 =	ssub.s32 @!p0 $0x0, s1;
	[sflag:s0] =	ssyncset.done @!p0 $0x0  }
0x42: {  	[sflag:s0] =	ssyncadd.s32 @!p0 s1  }
0x43: {  	[bflag:$0x3] =	sbarrier.arrive $0xFFFF  }
0x44: {  	_ =	shalt  }

</sc_bundles>
